<compile_context>
chip_gen: v7x
topology: tpu7x:2x2x1
jax: 0.10.2.dev20260603
libtpu: 0.0.44.dev20260713+nightly
codegen_flags: <defaults>
</compile_context>

<pallas_src>
import functools

import jax
import jax.numpy as jnp
from jax import lax
from jax.experimental import pallas as pl
from jax.experimental.pallas import tpu as pltpu
from jax.experimental.pallas import tpu_sc as plsc

N = 10000
E = 320000
D = 128
NHID = 256
NGRAPHS = 64

NC = 2
NS = 16
NW = NC * NS
EPW = E // NW
CH = 128
NFULL = EPW // CH
REM = EPW - NFULL * CH
RPT = 624
RPT_LAST = N - (NS - 1) * RPT

_sc_mesh = plsc.VectorSubcoreMesh(core_axis_name="c", subcore_axis_name="s")


@functools.partial(
    pl.kernel,
    mesh=_sc_mesh,
    out_type=jax.ShapeDtypeStruct((NC, N, D), jnp.float32),
    scratch_types=[
        pltpu.VMEM((NFULL * CH,), jnp.int32),
        pltpu.VMEM((CH,), jnp.int32),
        pltpu.VMEM((CH,), jnp.int32),
        pltpu.VMEM((CH, D), jnp.float32),
        pltpu.VMEM((CH, D), jnp.float32),
        pltpu.VMEM((REM,), jnp.int32),
        pltpu.VMEM((REM,), jnp.int32),
        pltpu.VMEM_SHARED((N, D), jnp.float32),
        pltpu.SemaphoreType.DMA,
        pltpu.SemaphoreType.DMA,
        pltpu.SemaphoreType.DMA,
        pltpu.SemaphoreType.DMA,
    ],
)
def _sc_agg(h_hbm, edge_hbm, zeros_hbm, out_hbm,
            src_v, dst0, dst1, rows0, rows1, srcr_v, dstr_v, acc,
            semg0, semg1, semd0, semd1):
    c = lax.axis_index("c")
    s = lax.axis_index("s")
    wid = c * NS + s
    ebase = wid * EPW
    dbase = E + wid * EPW

    pltpu.async_copy(edge_hbm.at[pl.ds(ebase, NFULL * CH)], src_v, semg0)
    pltpu.async_copy(edge_hbm.at[pl.ds(ebase + NFULL * CH, REM)], srcr_v,
                     semg1)
    pltpu.async_copy(edge_hbm.at[pl.ds(dbase + NFULL * CH, REM)], dstr_v,
                     semd1)

    @pl.when(s < NS - 1)
    def _():
        pltpu.sync_copy(zeros_hbm.at[pl.ds(0, RPT), :],
                        acc.at[pl.ds(s * RPT, RPT), :])

    @pl.when(s == NS - 1)
    def _():
        pltpu.sync_copy(zeros_hbm, acc.at[pl.ds(s * RPT, RPT_LAST), :])

    pltpu.make_async_copy(edge_hbm.at[pl.ds(ebase, NFULL * CH)], src_v,
                          semg0).wait()
    pltpu.make_async_copy(edge_hbm.at[pl.ds(ebase + NFULL * CH, REM)],
                          srcr_v, semg1).wait()
    pltpu.make_async_copy(edge_hbm.at[pl.ds(dbase + NFULL * CH, REM)],
                          dstr_v, semd1).wait()

    rbufs = (rows0, rows1)
    gsems = (semg0, semg1)
    dbufs = (dst0, dst1)
    dsems = (semd0, semd1)

    def _srcidx(j):
        return src_v.at[pl.ds(j * CH, CH)]

    pltpu.async_copy(h_hbm.at[_srcidx(0)], rows0, semg0)
    pltpu.async_copy(edge_hbm.at[pl.ds(dbase, CH)], dst0, semd0)
    plsc.subcore_barrier()

    def body(j0, carry):
        for b in range(2):
            j = j0 * 2 + b
            nxt = j + 1
            nb = (b + 1) % 2

            @pl.when(nxt < NFULL)
            def _():
                pltpu.async_copy(h_hbm.at[_srcidx(nxt)], rbufs[nb],
                                 gsems[nb])
                pltpu.async_copy(edge_hbm.at[pl.ds(dbase + nxt * CH, CH)],
                                 dbufs[nb], dsems[nb])

            pltpu.make_async_copy(h_hbm.at[_srcidx(j)], rbufs[b],
                                  gsems[b]).wait()
            pltpu.make_async_copy(edge_hbm.at[pl.ds(dbase + j * CH, CH)],
                                  dbufs[b], dsems[b]).wait()
            pltpu.sync_copy(rbufs[b], acc.at[dbufs[b]], add=True)
        return carry

    lax.fori_loop(0, NFULL // 2, body, 0)

    pltpu.async_copy(h_hbm.at[srcr_v], rows0.at[pl.ds(0, REM), :],
                     semg0).wait()
    pltpu.sync_copy(rows0.at[pl.ds(0, REM), :], acc.at[dstr_v], add=True)

    plsc.subcore_barrier()

    @pl.when(s < NS - 1)
    def _():
        pltpu.sync_copy(acc.at[pl.ds(s * RPT, RPT), :],
                        out_hbm.at[c, pl.ds(s * RPT, RPT), :])

    @pl.when(s == NS - 1)
    def _():
        pltpu.sync_copy(acc.at[pl.ds(s * RPT, RPT_LAST), :],
                        out_hbm.at[c, pl.ds(s * RPT, RPT_LAST), :])


def _mxu(a, b):
    return jnp.dot(a.astype(jnp.bfloat16), b.astype(jnp.bfloat16),
                   preferred_element_type=jnp.float32)


def _dense_body(x_ref, p_ref, eps_ref, w1_ref, b1_ref, w2_ref, b2_ref,
                gam_ref, bet_ref, out_ref):
    z = x_ref[...] * (1.0 + eps_ref[0, 0]) + p_ref[0] + p_ref[1]
    t = _mxu(z, w1_ref[...]) + b1_ref[...]
    t = jnp.maximum(t, 0.0)
    t = _mxu(t, w2_ref[...]) + b2_ref[...]
    t = jnp.maximum(t, 0.0)
    mean = jnp.mean(t, axis=0, keepdims=True)
    var = jnp.mean((t - mean) ** 2, axis=0, keepdims=True)
    out_ref[...] = (t - mean) * lax.rsqrt(var + 1e-5) * gam_ref[...] + bet_ref[...]


def _dense(x, p, eps, w1, b1, w2, b2, gam, bet):
    return pl.pallas_call(
        _dense_body,
        out_shape=jax.ShapeDtypeStruct((N, D), jnp.float32),
    )(x, p, eps, w1, b1, w2, b2, gam, bet)


def _final_body(h_ref, p_ref, eps_ref, w1_ref, b1_ref, w2_ref, b2_ref,
                gam_ref, bet_ref, batch_ref, p1w_ref, p1b_ref, p2w_ref,
                p2b_ref, out_ref):
    z = h_ref[...] * (1.0 + eps_ref[0, 0]) + p_ref[0] + p_ref[1]
    t = _mxu(z, w1_ref[...]) + b1_ref[...]
    t = jnp.maximum(t, 0.0)
    t = _mxu(t, w2_ref[...]) + b2_ref[...]
    t = jnp.maximum(t, 0.0)
    mean = jnp.mean(t, axis=0, keepdims=True)
    var = jnp.mean((t - mean) ** 2, axis=0, keepdims=True)
    hb = (t - mean) * lax.rsqrt(var + 1e-5) * gam_ref[...] + bet_ref[...]
    gids = lax.broadcasted_iota(jnp.int32, (NGRAPHS, N), 0)
    onehot = (batch_ref[...] == gids).astype(jnp.float32)
    pooled = jnp.dot(onehot, hb, preferred_element_type=jnp.float32,
                     precision=lax.Precision.HIGHEST)
    counts = jnp.sum(onehot, axis=1, keepdims=True)
    pooled = pooled / jnp.maximum(counts, 1.0)
    o = jnp.maximum(_mxu(pooled, p1w_ref[...]) + p1b_ref[...], 0.0)
    out_ref[...] = _mxu(o, p2w_ref[...]) + p2b_ref[...]


def _final(h, p, eps, w1, b1, w2, b2, gam, bet, batch2d, p1w, p1b, p2w, p2b):
    return pl.pallas_call(
        _final_body,
        out_shape=jax.ShapeDtypeStruct((NGRAPHS, D), jnp.float32),
    )(h, p, eps, w1, b1, w2, b2, gam, bet, batch2d, p1w, p1b, p2w, p2b)


def kernel(x, edge_index, batch, eps0, g0w1, g0b1, g0w2, g0b2,
           eps1, g1w1, g1b1, g1w2, g1b2, bn_gamma, bn_beta,
           p1w, p1b, p2w, p2b):
    edges = edge_index.reshape(2 * E)
    zeros = jnp.zeros((RPT_LAST, D), jnp.float32)
    eps0_2d = eps0.reshape(1, 1)
    eps1_2d = eps1.reshape(1, 1)
    batch2d = batch.reshape(1, N)
    gam = bn_gamma.reshape(1, D)
    bet = bn_beta.reshape(1, D)

    p0 = _sc_agg(x, edges, zeros)
    h0 = _dense(x, p0, eps0_2d, g0w1, g0b1.reshape(1, -1),
                g0w2, g0b2.reshape(1, -1), gam, bet)
    p1_ = _sc_agg(h0, edges, zeros)
    out = _final(h0, p1_, eps1_2d, g1w1, g1b1.reshape(1, -1),
                 g1w2, g1b2.reshape(1, -1), gam, bet, batch2d,
                 p1w, p1b.reshape(1, -1), p2w, p2b.reshape(1, -1))
    return out

# --- scband reference (transcript-rebuilt; emitter-appended) ---
"""Pipeline reference for scband-base-graph-encoder-60163901882838 (READ-ONLY COPY).

The authoritative reference and input builder live on the scoring server;
editing this copy changes nothing except your own understanding.
"""

import jax, jax.numpy as jnp
import numpy as np

N = 10000
E = 320000
D = 128
NHID = 256
NGRAPHS = 64


def setup_inputs(seed: int = 0) -> dict:
    key = jax.random.key(seed)
    ks = jax.random.split(key, 24)
    s = 0.05
    inp = {}
    inp["x"] = jax.random.normal(ks[0], (N, D), dtype=jnp.float32)
    inp["edge_index"] = jax.random.randint(ks[1], (2, E), 0, N, dtype=jnp.int32)
    inp["batch"] = jnp.sort(jax.random.randint(ks[2], (N,), 0, NGRAPHS, dtype=jnp.int32))
    # GINConv 0 (train_eps, eps init 0) with nn mlp: Linear(D,2D) -> ReLU -> Linear(2D,D)
    inp["eps0"] = jnp.zeros((), dtype=jnp.float32)
    inp["g0w1"] = s * jax.random.normal(ks[3], (D, 2 * D), dtype=jnp.float32)
    inp["g0b1"] = jnp.zeros((2 * D,), dtype=jnp.float32)
    inp["g0w2"] = s * jax.random.normal(ks[4], (2 * D, D), dtype=jnp.float32)
    inp["g0b2"] = jnp.zeros((D,), dtype=jnp.float32)
    # GINConv 1
    inp["eps1"] = jnp.zeros((), dtype=jnp.float32)
    inp["g1w1"] = s * jax.random.normal(ks[5], (D, 2 * D), dtype=jnp.float32)
    inp["g1b1"] = jnp.zeros((2 * D,), dtype=jnp.float32)
    inp["g1w2"] = s * jax.random.normal(ks[6], (2 * D, D), dtype=jnp.float32)
    inp["g1b2"] = jnp.zeros((D,), dtype=jnp.float32)
    # BatchNorm (torch code applies bns[0] after both conv layers when nlayers=3)
    inp["bn_gamma"] = jnp.ones((D,), dtype=jnp.float32)
    inp["bn_beta"] = jnp.zeros((D,), dtype=jnp.float32)
    # projections
    inp["p1w"] = s * jax.random.normal(ks[7], (D, NHID), dtype=jnp.float32)
    inp["p1b"] = jnp.zeros((NHID,), dtype=jnp.float32)
    inp["p2w"] = s * jax.random.normal(ks[8], (NHID, D), dtype=jnp.float32)
    inp["p2b"] = jnp.zeros((D,), dtype=jnp.float32)
    return inp


def _gin_layer(h, src, dst, eps, w1, b1, w2, b2):
    # GINConv aggr='add': out = mlp((1+eps)*x_i + sum_{j in N(i)} x_j)
    agg = jnp.zeros_like(h).at[dst].add(h[src])
    z = (1.0 + eps) * h + agg
    z = jnp.maximum(z @ w1 + b1, 0.0)
    return z @ w2 + b2


def _batchnorm(h, gamma, beta):
    mean = jnp.mean(h, axis=0)
    var = jnp.var(h, axis=0)
    return (h - mean) / jnp.sqrt(var + 1e-5) * gamma + beta


def reference(x, edge_index, batch, eps0, g0w1, g0b1, g0w2, g0b2, eps1, g1w1, g1b1, g1w2, g1b2, bn_gamma, bn_beta, p1w, p1b, p2w, p2b):
    src = edge_index[0]
    dst = edge_index[1]
    # layer 0 + relu + (dropout=identity in eval) + bns[0]
    h = jnp.maximum(_gin_layer(x, src, dst, eps0, g0w1, g0b1, g0w2, g0b2), 0.0)
    h = _batchnorm(h, bn_gamma, bn_beta)
    # layer 1 + relu + bns[0] (index bug in original torch code reuses bns[0])
    h = jnp.maximum(_gin_layer(h, src, dst, eps1, g1w1, g1b1, g1w2, g1b2), 0.0)
    h = _batchnorm(h, bn_gamma, bn_beta)
    # global_mean_pool
    pooled = jax.ops.segment_sum(h, batch, num_segments=NGRAPHS)
    counts = jax.ops.segment_sum(jnp.ones((h.shape[0],), dtype=h.dtype), batch, num_segments=NGRAPHS)
    pooled = pooled / jnp.maximum(counts, 1.0)[:, None]
    out = jnp.maximum(pooled @ p1w + p1b, 0.0)
    out = out @ p2w + p2b
    return out

if __name__ == "__main__":
    import jax
    _d = setup_inputs()
    print(jax.jit(kernel)(*tuple(_d.values())))

</pallas_src>

<mosaic_0001>
#map = affine_map<(d0, d1) -> (0, 0)>
#map1 = affine_map<(d0, d1) -> (0)>
#map2 = affine_map<(d0, d1) -> (0, 0, 0)>
module attributes {stable_mosaic.version = 14 : i64} {
  func.func @_sc_agg(%arg0: i32, %arg1: i32, %arg2: memref<10000x128xf32, #tpu.memory_space<hbm>>, %arg3: memref<640000xi32, #tpu.memory_space<hbm>>, %arg4: memref<640x128xf32, #tpu.memory_space<hbm>>, %arg5: memref<2x10000x128xf32, #tpu.memory_space<hbm>>, %arg6: memref<9984xi32, #tpu.memory_space<vmem>>, %arg7: memref<128xi32, #tpu.memory_space<vmem>>, %arg8: memref<128xi32, #tpu.memory_space<vmem>>, %arg9: memref<128x128xf32, #tpu.memory_space<vmem>>, %arg10: memref<128x128xf32, #tpu.memory_space<vmem>>, %arg11: memref<16xi32, #tpu.memory_space<vmem>>, %arg12: memref<16xi32, #tpu.memory_space<vmem>>, %arg13: memref<10000x128xf32, #tpu.memory_space<vmem_shared>>, %arg14: memref<!tpu.dma_semaphore, #tpu.memory_space<semaphore_mem>>, %arg15: memref<!tpu.dma_semaphore, #tpu.memory_space<semaphore_mem>>, %arg16: memref<!tpu.dma_semaphore, #tpu.memory_space<semaphore_mem>>, %arg17: memref<!tpu.dma_semaphore, #tpu.memory_space<semaphore_mem>>) attributes {dimension_semantics = [#tpu.dimension_semantics<core_parallel>, #tpu.dimension_semantics<subcore_parallel>], iteration_bounds = array<i64: 2, 16>, scalar_prefetch = 0 : i64, scratch_operands = 12 : i64, tpu.core_type = #tpu.core_type<sc_vector_subcore>, window_params = [{transform_indices = #map}, {transform_indices = #map1}, {transform_indices = #map}, {transform_indices = #map2}]} {
    %mul3A = arith.constant 16 : i32
    %mul3A_0 = arith.muli %arg0, %mul3A : i32
    %add3A = arith.addi %mul3A_0, %arg1 : i32
    %mul3A_1 = arith.constant 10000 : i32
    %mul3A_2 = arith.muli %add3A, %mul3A_1 : i32
    %mul3A_3 = arith.constant 10000 : i32
    %mul3A_4 = arith.muli %add3A, %mul3A_3 : i32
    %add3A_5 = arith.constant 320000 : i32
    %add3A_6 = arith.addi %add3A_5, %mul3A_4 : i32
    %dma_start3A = tpu.memref_slice %arg3[%mul3A_2] : memref<640000xi32, #tpu.memory_space<hbm>> -> memref<9984xi32, #tpu.memory_space<hbm>>
    %dma_start3A_7 = tpu.memref_slice %arg3[%mul3A_2] : memref<640000xi32, #tpu.memory_space<hbm>> -> memref<9984xi32, #tpu.memory_space<hbm>>
    tpu.enqueue_dma source(%dma_start3A_7 : memref<9984xi32, #tpu.memory_space<hbm>>) target(%arg6 : memref<9984xi32, #tpu.memory_space<vmem>>) target_semaphore(%arg14 : memref<!tpu.dma_semaphore, #tpu.memory_space<semaphore_mem>>)
    %add3A_8 = arith.constant 9984 : i32
    %add3A_9 = arith.addi %mul3A_2, %add3A_8 : i32
    %dma_start3A_10 = tpu.memref_slice %arg3[%add3A_9] : memref<640000xi32, #tpu.memory_space<hbm>> -> memref<16xi32, #tpu.memory_space<hbm>>
    %dma_start3A_11 = tpu.memref_slice %arg3[%add3A_9] : memref<640000xi32, #tpu.memory_space<hbm>> -> memref<16xi32, #tpu.memory_space<hbm>>
    tpu.enqueue_dma source(%dma_start3A_11 : memref<16xi32, #tpu.memory_space<hbm>>) target(%arg11 : memref<16xi32, #tpu.memory_space<vmem>>) target_semaphore(%arg15 : memref<!tpu.dma_semaphore, #tpu.memory_space<semaphore_mem>>)
    %add3A_12 = arith.constant 9984 : i32
    %add3A_13 = arith.addi %add3A_6, %add3A_12 : i32
    %dma_start3A_14 = tpu.memref_slice %arg3[%add3A_13] : memref<640000xi32, #tpu.memory_space<hbm>> -> memref<16xi32, #tpu.memory_space<hbm>>
    %dma_start3A_15 = tpu.memref_slice %arg3[%add3A_13] : memref<640000xi32, #tpu.memory_space<hbm>> -> memref<16xi32, #tpu.memory_space<hbm>>
    tpu.enqueue_dma source(%dma_start3A_15 : memref<16xi32, #tpu.memory_space<hbm>>) target(%arg12 : memref<16xi32, #tpu.memory_space<vmem>>) target_semaphore(%arg17 : memref<!tpu.dma_semaphore, #tpu.memory_space<semaphore_mem>>)
    %lt3A = arith.constant 15 : i32
    %lt3A_16 = arith.cmpi slt, %arg1, %lt3A : i32
    %convert_element_type3A = arith.extui %lt3A_16 : i1 to i32
    %cond3A = arith.constant 0 : i32
    %cond3A_17 = arith.cmpi ne, %convert_element_type3A, %cond3A : i32
    scf.if %cond3A_17 {
      %mul3A_66 = arith.constant 624 : i32
      %mul3A_67 = arith.muli %arg1, %mul3A_66 : i32
      "tpu.region"() ({
        %run_scoped3A = tpu.sem_alloc : memref<!tpu.dma_semaphore, #tpu.memory_space<semaphore_mem>>
        %dma_start3A_68 = arith.constant 0 : i32
        %dma_start3A_69 = tpu.memref_slice %arg13[%mul3A_67, %dma_start3A_68] : memref<10000x128xf32, #tpu.memory_space<vmem_shared>> -> memref<624x128xf32, #tpu.memory_space<vmem_shared>>
        %dma_start3A_70 = arith.constant 0 : i32
        %dma_start3A_71 = arith.constant 0 : i32
        %dma_start3A_72 = tpu.memref_slice %arg4[%dma_start3A_70, %dma_start3A_71] : memref<640x128xf32, #tpu.memory_space<hbm>> -> memref<624x128xf32, #tpu.memory_space<hbm>>
        tpu.enqueue_dma source(%dma_start3A_72 : memref<624x128xf32, #tpu.memory_space<hbm>>) target(%dma_start3A_69 : memref<624x128xf32, #tpu.memory_space<vmem_shared>>) target_semaphore(%run_scoped3A : memref<!tpu.dma_semaphore, #tpu.memory_space<semaphore_mem>>)
        %dma_wait3A_73 = arith.constant 0 : i32
        %dma_wait3A_74 = tpu.memref_slice %arg13[%mul3A_67, %dma_wait3A_73] : memref<10000x128xf32, #tpu.memory_space<vmem_shared>> -> memref<624x128xf32, #tpu.memory_space<vmem_shared>>
        %dma_wait3A_75 = arith.constant 0 : i32
        %dma_wait3A_76 = arith.constant 0 : i32
        %dma_wait3A_77 = tpu.memref_slice %arg4[%dma_wait3A_75, %dma_wait3A_76] : memref<640x128xf32, #tpu.memory_space<hbm>> -> memref<624x128xf32, #tpu.memory_space<hbm>>
        tpu.wait_dma2 semaphore(%run_scoped3A : memref<!tpu.dma_semaphore, #tpu.memory_space<semaphore_mem>>) src(%dma_wait3A_77 : memref<624x128xf32, #tpu.memory_space<hbm>>) dst(%dma_wait3A_74 : memref<624x128xf32, #tpu.memory_space<vmem_shared>>)
        tpu.yield
      }) : () -> ()
    } else {
    }
    %eq3A = arith.constant 15 : i32
    %eq3A_18 = arith.cmpi eq, %arg1, %eq3A : i32
    %convert_element_type3A_19 = arith.extui %eq3A_18 : i1 to i32
    %cond3A_20 = arith.constant 0 : i32
    %cond3A_21 = arith.cmpi ne, %convert_element_type3A_19, %cond3A_20 : i32
    scf.if %cond3A_21 {
      %mul3A_66 = arith.constant 624 : i32
      %mul3A_67 = arith.muli %arg1, %mul3A_66 : i32
      "tpu.region"() ({
        %run_scoped3A = tpu.sem_alloc : memref<!tpu.dma_semaphore, #tpu.memory_space<semaphore_mem>>
        %dma_start3A_68 = arith.constant 0 : i32
        %dma_start3A_69 = tpu.memref_slice %arg13[%mul3A_67, %dma_start3A_68] : memref<10000x128xf32, #tpu.memory_space<vmem_shared>> -> memref<640x128xf32, #tpu.memory_space<vmem_shared>>
        tpu.enqueue_dma source(%arg4 : memref<640x128xf32, #tpu.memory_space<hbm>>) target(%dma_start3A_69 : memref<640x128xf32, #tpu.memory_space<vmem_shared>>) target_semaphore(%run_scoped3A : memref<!tpu.dma_semaphore, #tpu.memory_space<semaphore_mem>>)
        %dma_wait3A_70 = arith.constant 0 : i32
        %dma_wait3A_71 = tpu.memref_slice %arg13[%mul3A_67, %dma_wait3A_70] : memref<10000x128xf32, #tpu.memory_space<vmem_shared>> -> memref<640x128xf32, #tpu.memory_space<vmem_shared>>
        tpu.wait_dma2 semaphore(%run_scoped3A : memref<!tpu.dma_semaphore, #tpu.memory_space<semaphore_mem>>) src(%arg4 : memref<640x128xf32, #tpu.memory_space<hbm>>) dst(%dma_wait3A_71 : memref<640x128xf32, #tpu.memory_space<vmem_shared>>)
        tpu.yield
      }) : () -> ()
    } else {
    }
    %dma_wait3A = tpu.memref_slice %arg3[%mul3A_2] : memref<640000xi32, #tpu.memory_space<hbm>> -> memref<9984xi32, #tpu.memory_space<hbm>>
    %dma_wait3A_22 = tpu.memref_slice %arg3[%mul3A_2] : memref<640000xi32, #tpu.memory_space<hbm>> -> memref<9984xi32, #tpu.memory_space<hbm>>
    tpu.wait_dma2 semaphore(%arg14 : memref<!tpu.dma_semaphore, #tpu.memory_space<semaphore_mem>>) src(%dma_wait3A_22 : memref<9984xi32, #tpu.memory_space<hbm>>) dst(%arg6 : memref<9984xi32, #tpu.memory_space<vmem>>)
    %add3A_23 = arith.constant 9984 : i32
    %add3A_24 = arith.addi %mul3A_2, %add3A_23 : i32
    %dma_wait3A_25 = tpu.memref_slice %arg3[%add3A_24] : memref<640000xi32, #tpu.memory_space<hbm>> -> memref<16xi32, #tpu.memory_space<hbm>>
    %dma_wait3A_26 = tpu.memref_slice %arg3[%add3A_24] : memref<640000xi32, #tpu.memory_space<hbm>> -> memref<16xi32, #tpu.memory_space<hbm>>
    tpu.wait_dma2 semaphore(%arg15 : memref<!tpu.dma_semaphore, #tpu.memory_space<semaphore_mem>>) src(%dma_wait3A_26 : memref<16xi32, #tpu.memory_space<hbm>>) dst(%arg11 : memref<16xi32, #tpu.memory_space<vmem>>)
    %add3A_27 = arith.constant 9984 : i32
    %add3A_28 = arith.addi %add3A_6, %add3A_27 : i32
    %dma_wait3A_29 = tpu.memref_slice %arg3[%add3A_28] : memref<640000xi32, #tpu.memory_space<hbm>> -> memref<16xi32, #tpu.memory_space<hbm>>
    %dma_wait3A_30 = tpu.memref_slice %arg3[%add3A_28] : memref<640000xi32, #tpu.memory_space<hbm>> -> memref<16xi32, #tpu.memory_space<hbm>>
    tpu.wait_dma2 semaphore(%arg17 : memref<!tpu.dma_semaphore, #tpu.memory_space<semaphore_mem>>) src(%dma_wait3A_30 : memref<16xi32, #tpu.memory_space<hbm>>) dst(%arg12 : memref<16xi32, #tpu.memory_space<vmem>>)
    %dma_start3A_31 = arith.constant 0 : i32
    %dma_start3A_32 = tpu.memref_slice %arg6[%dma_start3A_31] : memref<9984xi32, #tpu.memory_space<vmem>> -> memref<128xi32, #tpu.memory_space<vmem>>
    %dma_start3A_33 = arith.constant 0 : i32
    %dma_start3A_34 = arith.constant 0 : i32
    %dma_start3A_35 = tpu.memref_slice %arg2[%dma_start3A_33, %dma_start3A_34] : memref<10000x128xf32, #tpu.memory_space<hbm>> -> memref<10000x128xf32, #tpu.memory_space<hbm>>
    tpu.enqueue_indirect_dma source(%dma_start3A_35 : memref<10000x128xf32, #tpu.memory_space<hbm>>) target(%arg9 : memref<128x128xf32, #tpu.memory_space<vmem>>) offsets(%dma_start3A_32 : memref<128xi32, #tpu.memory_space<vmem>>) semaphore(%arg14 : memref<!tpu.dma_semaphore, #tpu.memory_space<semaphore_mem>>)
    %dma_start3A_36 = tpu.memref_slice %arg3[%add3A_6] : memref<640000xi32, #tpu.memory_space<hbm>> -> memref<128xi32, #tpu.memory_space<hbm>>
    %dma_start3A_37 = tpu.memref_slice %arg3[%add3A_6] : memref<640000xi32, #tpu.memory_space<hbm>> -> memref<128xi32, #tpu.memory_space<hbm>>
    tpu.enqueue_dma source(%dma_start3A_37 : memref<128xi32, #tpu.memory_space<hbm>>) target(%arg7 : memref<128xi32, #tpu.memory_space<vmem>>) target_semaphore(%arg16 : memref<!tpu.dma_semaphore, #tpu.memory_space<semaphore_mem>>)
    %barrier3A = arith.constant 0 : index
    tpu.barrier barrier_id(%barrier3A)
    %scan3A = arith.constant 0 : i32
    %scan3A_38 = arith.constant 0 : i32
    %scan3A_39 = arith.constant 39 : i32
    %scan3A_40 = arith.addi %scan3A_38, %scan3A_39 : i32
    %scan3A_41 = arith.constant 1 : i32
    scf.for %scan3A_66 = %scan3A_38 to %scan3A_40 step %scan3A_41  : i32 {
      %mul3A_67 = arith.constant 2 : i32
      %mul3A_68 = arith.muli %scan3A_66, %mul3A_67 : i32
      %add3A_69 = arith.constant 0 : i32
      %add3A_70 = arith.addi %mul3A_68, %add3A_69 : i32
      %add3A_71 = arith.constant 1 : i32
      %add3A_72 = arith.addi %add3A_70, %add3A_71 : i32
      %lt3A_73 = arith.constant 78 : i32
      %lt3A_74 = arith.cmpi slt, %add3A_72, %lt3A_73 : i32
      %convert_element_type3A_75 = arith.extui %lt3A_74 : i1 to i32
      %cond3A_76 = arith.constant 0 : i32
      %cond3A_77 = arith.cmpi ne, %convert_element_type3A_75, %cond3A_76 : i32
      scf.if %cond3A_77 {
        %mul3A_111 = arith.constant 128 : i32
        %mul3A_112 = arith.muli %add3A_72, %mul3A_111 : i32
        %dma_start3A_113 = tpu.memref_slice %arg6[%mul3A_112] : memref<9984xi32, #tpu.memory_space<vmem>> -> memref<128xi32, #tpu.memory_space<vmem>>
        %dma_start3A_114 = arith.constant 0 : i32
        %dma_start3A_115 = arith.constant 0 : i32
        %dma_start3A_116 = tpu.memref_slice %arg2[%dma_start3A_114, %dma_start3A_115] : memref<10000x128xf32, #tpu.memory_space<hbm>> -> memref<10000x128xf32, #tpu.memory_space<hbm>>
        tpu.enqueue_indirect_dma source(%dma_start3A_116 : memref<10000x128xf32, #tpu.memory_space<hbm>>) target(%arg10 : memref<128x128xf32, #tpu.memory_space<vmem>>) offsets(%dma_start3A_113 : memref<128xi32, #tpu.memory_space<vmem>>) semaphore(%arg15 : memref<!tpu.dma_semaphore, #tpu.memory_space<semaphore_mem>>)
        %mul3A_117 = arith.constant 128 : i32
        %mul3A_118 = arith.muli %add3A_72, %mul3A_117 : i32
        %add3A_119 = arith.addi %add3A_6, %mul3A_118 : i32
        %dma_start3A_120 = tpu.memref_slice %arg3[%add3A_119] : memref<640000xi32, #tpu.memory_space<hbm>> -> memref<128xi32, #tpu.memory_space<hbm>>
        %dma_start3A_121 = tpu.memref_slice %arg3[%add3A_119] : memref<640000xi32, #tpu.memory_space<hbm>> -> memref<128xi32, #tpu.memory_space<hbm>>
        tpu.enqueue_dma source(%dma_start3A_121 : memref<128xi32, #tpu.memory_space<hbm>>) target(%arg8 : memref<128xi32, #tpu.memory_space<vmem>>) target_semaphore(%arg17 : memref<!tpu.dma_semaphore, #tpu.memory_space<semaphore_mem>>)
      } else {
      }
      %mul3A_78 = arith.constant 128 : i32
      %mul3A_79 = arith.muli %add3A_70, %mul3A_78 : i32
      %dma_wait3A_80 = tpu.memref_slice %arg6[%mul3A_79] : memref<9984xi32, #tpu.memory_space<vmem>> -> memref<128xi32, #tpu.memory_space<vmem>>
      %dma_wait3A_81 = arith.constant 0 : i32
      %dma_wait3A_82 = arith.constant 0 : i32
      %dma_wait3A_83 = tpu.memref_slice %arg2[%dma_wait3A_81, %dma_wait3A_82] : memref<10000x128xf32, #tpu.memory_space<hbm>> -> memref<10000x128xf32, #tpu.memory_space<hbm>>
      tpu.wait_indirect_dma semaphore(%arg14 : memref<!tpu.dma_semaphore, #tpu.memory_space<semaphore_mem>>) src(%dma_wait3A_83 : memref<10000x128xf32, #tpu.memory_space<hbm>>) dst(%arg9 : memref<128x128xf32, #tpu.memory_space<vmem>>)
      %mul3A_84 = arith.constant 128 : i32
      %mul3A_85 = arith.muli %add3A_70, %mul3A_84 : i32
      %add3A_86 = arith.addi %add3A_6, %mul3A_85 : i32
      %dma_wait3A_87 = tpu.memref_slice %arg3[%add3A_86] : memref<640000xi32, #tpu.memory_space<hbm>> -> memref<128xi32, #tpu.memory_space<hbm>>
      %dma_wait3A_88 = tpu.memref_slice %arg3[%add3A_86] : memref<640000xi32, #tpu.memory_space<hbm>> -> memref<128xi32, #tpu.memory_space<hbm>>
      tpu.wait_dma2 semaphore(%arg16 : memref<!tpu.dma_semaphore, #tpu.memory_space<semaphore_mem>>) src(%dma_wait3A_88 : memref<128xi32, #tpu.memory_space<hbm>>) dst(%arg7 : memref<128xi32, #tpu.memory_space<vmem>>)
      "tpu.region"() ({
        %run_scoped3A = tpu.sem_alloc : memref<!tpu.dma_semaphore, #tpu.memory_space<semaphore_mem>>
        %dma_start3A_111 = arith.constant 0 : i32
        %dma_start3A_112 = arith.constant 0 : i32
        %dma_start3A_113 = tpu.memref_slice %arg13[%dma_start3A_111, %dma_start3A_112] : memref<10000x128xf32, #tpu.memory_space<vmem_shared>> -> memref<10000x128xf32, #tpu.memory_space<vmem_shared>>
        tpu.enqueue_indirect_dma source(%arg9 : memref<128x128xf32, #tpu.memory_space<vmem>>) target(%dma_start3A_113 : memref<10000x128xf32, #tpu.memory_space<vmem_shared>>) offsets(%arg7 : memref<128xi32, #tpu.memory_space<vmem>>) semaphore(%run_scoped3A : memref<!tpu.dma_semaphore, #tpu.memory_space<semaphore_mem>>) {add = true}
        %dma_wait3A_114 = arith.constant 0 : i32
        %dma_wait3A_115 = arith.constant 0 : i32
        %dma_wait3A_116 = tpu.memref_slice %arg13[%dma_wait3A_114, %dma_wait3A_115] : memref<10000x128xf32, #tpu.memory_space<vmem_shared>> -> memref<10000x128xf32, #tpu.memory_space<vmem_shared>>
        tpu.wait_indirect_dma semaphore(%run_scoped3A : memref<!tpu.dma_semaphore, #tpu.memory_space<semaphore_mem>>) src(%arg9 : memref<128x128xf32, #tpu.memory_space<vmem>>) dst(%dma_wait3A_116 : memref<10000x128xf32, #tpu.memory_space<vmem_shared>>)
        tpu.yield
      }) : () -> ()
      %mul3A_89 = arith.constant 2 : i32
      %mul3A_90 = arith.muli %scan3A_66, %mul3A_89 : i32
      %add3A_91 = arith.constant 1 : i32
      %add3A_92 = arith.addi %mul3A_90, %add3A_91 : i32
      %add3A_93 = arith.constant 1 : i32
      %add3A_94 = arith.addi %add3A_92, %add3A_93 : i32
      %lt3A_95 = arith.constant 78 : i32
      %lt3A_96 = arith.cmpi slt, %add3A_94, %lt3A_95 : i32
      %convert_element_type3A_97 = arith.extui %lt3A_96 : i1 to i32
      %cond3A_98 = arith.constant 0 : i32
      %cond3A_99 = arith.cmpi ne, %convert_element_type3A_97, %cond3A_98 : i32
      scf.if %cond3A_99 {
        %mul3A_111 = arith.constant 128 : i32
        %mul3A_112 = arith.muli %add3A_94, %mul3A_111 : i32
        %dma_start3A_113 = tpu.memref_slice %arg6[%mul3A_112] : memref<9984xi32, #tpu.memory_space<vmem>> -> memref<128xi32, #tpu.memory_space<vmem>>
        %dma_start3A_114 = arith.constant 0 : i32
        %dma_start3A_115 = arith.constant 0 : i32
        %dma_start3A_116 = tpu.memref_slice %arg2[%dma_start3A_114, %dma_start3A_115] : memref<10000x128xf32, #tpu.memory_space<hbm>> -> memref<10000x128xf32, #tpu.memory_space<hbm>>
        tpu.enqueue_indirect_dma source(%dma_start3A_116 : memref<10000x128xf32, #tpu.memory_space<hbm>>) target(%arg9 : memref<128x128xf32, #tpu.memory_space<vmem>>) offsets(%dma_start3A_113 : memref<128xi32, #tpu.memory_space<vmem>>) semaphore(%arg14 : memref<!tpu.dma_semaphore, #tpu.memory_space<semaphore_mem>>)
        %mul3A_117 = arith.constant 128 : i32
        %mul3A_118 = arith.muli %add3A_94, %mul3A_117 : i32
        %add3A_119 = arith.addi %add3A_6, %mul3A_118 : i32
        %dma_start3A_120 = tpu.memref_slice %arg3[%add3A_119] : memref<640000xi32, #tpu.memory_space<hbm>> -> memref<128xi32, #tpu.memory_space<hbm>>
        %dma_start3A_121 = tpu.memref_slice %arg3[%add3A_119] : memref<640000xi32, #tpu.memory_space<hbm>> -> memref<128xi32, #tpu.memory_space<hbm>>
        tpu.enqueue_dma source(%dma_start3A_121 : memref<128xi32, #tpu.memory_space<hbm>>) target(%arg7 : memref<128xi32, #tpu.memory_space<vmem>>) target_semaphore(%arg16 : memref<!tpu.dma_semaphore, #tpu.memory_space<semaphore_mem>>)
      } else {
      }
      %mul3A_100 = arith.constant 128 : i32
      %mul3A_101 = arith.muli %add3A_92, %mul3A_100 : i32
      %dma_wait3A_102 = tpu.memref_slice %arg6[%mul3A_101] : memref<9984xi32, #tpu.memory_space<vmem>> -> memref<128xi32, #tpu.memory_space<vmem>>
      %dma_wait3A_103 = arith.constant 0 : i32
      %dma_wait3A_104 = arith.constant 0 : i32
      %dma_wait3A_105 = tpu.memref_slice %arg2[%dma_wait3A_103, %dma_wait3A_104] : memref<10000x128xf32, #tpu.memory_space<hbm>> -> memref<10000x128xf32, #tpu.memory_space<hbm>>
      tpu.wait_indirect_dma semaphore(%arg15 : memref<!tpu.dma_semaphore, #tpu.memory_space<semaphore_mem>>) src(%dma_wait3A_105 : memref<10000x128xf32, #tpu.memory_space<hbm>>) dst(%arg10 : memref<128x128xf32, #tpu.memory_space<vmem>>)
      %mul3A_106 = arith.constant 128 : i32
      %mul3A_107 = arith.muli %add3A_92, %mul3A_106 : i32
      %add3A_108 = arith.addi %add3A_6, %mul3A_107 : i32
      %dma_wait3A_109 = tpu.memref_slice %arg3[%add3A_108] : memref<640000xi32, #tpu.memory_space<hbm>> -> memref<128xi32, #tpu.memory_space<hbm>>
      %dma_wait3A_110 = tpu.memref_slice %arg3[%add3A_108] : memref<640000xi32, #tpu.memory_space<hbm>> -> memref<128xi32, #tpu.memory_space<hbm>>
      tpu.wait_dma2 semaphore(%arg17 : memref<!tpu.dma_semaphore, #tpu.memory_space<semaphore_mem>>) src(%dma_wait3A_110 : memref<128xi32, #tpu.memory_space<hbm>>) dst(%arg8 : memref<128xi32, #tpu.memory_space<vmem>>)
      "tpu.region"() ({
        %run_scoped3A = tpu.sem_alloc : memref<!tpu.dma_semaphore, #tpu.memory_space<semaphore_mem>>
        %dma_start3A_111 = arith.constant 0 : i32
        %dma_start3A_112 = arith.constant 0 : i32
        %dma_start3A_113 = tpu.memref_slice %arg13[%dma_start3A_111, %dma_start3A_112] : memref<10000x128xf32, #tpu.memory_space<vmem_shared>> -> memref<10000x128xf32, #tpu.memory_space<vmem_shared>>
        tpu.enqueue_indirect_dma source(%arg10 : memref<128x128xf32, #tpu.memory_space<vmem>>) target(%dma_start3A_113 : memref<10000x128xf32, #tpu.memory_space<vmem_shared>>) offsets(%arg8 : memref<128xi32, #tpu.memory_space<vmem>>) semaphore(%run_scoped3A : memref<!tpu.dma_semaphore, #tpu.memory_space<semaphore_mem>>) {add = true}
        %dma_wait3A_114 = arith.constant 0 : i32
        %dma_wait3A_115 = arith.constant 0 : i32
        %dma_wait3A_116 = tpu.memref_slice %arg13[%dma_wait3A_114, %dma_wait3A_115] : memref<10000x128xf32, #tpu.memory_space<vmem_shared>> -> memref<10000x128xf32, #tpu.memory_space<vmem_shared>>
        tpu.wait_indirect_dma semaphore(%run_scoped3A : memref<!tpu.dma_semaphore, #tpu.memory_space<semaphore_mem>>) src(%arg10 : memref<128x128xf32, #tpu.memory_space<vmem>>) dst(%dma_wait3A_116 : memref<10000x128xf32, #tpu.memory_space<vmem_shared>>)
        tpu.yield
      }) : () -> ()
    }
    %scan3A_42 = arith.constant 39 : i32
    %dma_start3A_43 = arith.constant 0 : i32
    %dma_start3A_44 = arith.constant 0 : i32
    %dma_start3A_45 = tpu.memref_slice %arg9[%dma_start3A_43, %dma_start3A_44] : memref<128x128xf32, #tpu.memory_space<vmem>> -> memref<16x128xf32, #tpu.memory_space<vmem>>
    %dma_start3A_46 = arith.constant 0 : i32
    %dma_start3A_47 = arith.constant 0 : i32
    %dma_start3A_48 = tpu.memref_slice %arg2[%dma_start3A_46, %dma_start3A_47] : memref<10000x128xf32, #tpu.memory_space<hbm>> -> memref<10000x128xf32, #tpu.memory_space<hbm>>
    tpu.enqueue_indirect_dma source(%dma_start3A_48 : memref<10000x128xf32, #tpu.memory_space<hbm>>) target(%dma_start3A_45 : memref<16x128xf32, #tpu.memory_space<vmem>>) offsets(%arg11 : memref<16xi32, #tpu.memory_space<vmem>>) semaphore(%arg14 : memref<!tpu.dma_semaphore, #tpu.memory_space<semaphore_mem>>)
    %dma_wait3A_49 = arith.constant 0 : i32
    %dma_wait3A_50 = arith.constant 0 : i32
    %dma_wait3A_51 = tpu.memref_slice %arg9[%dma_wait3A_49, %dma_wait3A_50] : memref<128x128xf32, #tpu.memory_space<vmem>> -> memref<16x128xf32, #tpu.memory_space<vmem>>
    %dma_wait3A_52 = arith.constant 0 : i32
    %dma_wait3A_53 = arith.constant 0 : i32
    %dma_wait3A_54 = tpu.memref_slice %arg2[%dma_wait3A_52, %dma_wait3A_53] : memref<10000x128xf32, #tpu.memory_space<hbm>> -> memref<10000x128xf32, #tpu.memory_space<hbm>>
    tpu.wait_indirect_dma semaphore(%arg14 : memref<!tpu.dma_semaphore, #tpu.memory_space<semaphore_mem>>) src(%dma_wait3A_54 : memref<10000x128xf32, #tpu.memory_space<hbm>>) dst(%dma_wait3A_51 : memref<16x128xf32, #tpu.memory_space<vmem>>)
    "tpu.region"() ({
      %run_scoped3A = tpu.sem_alloc : memref<!tpu.dma_semaphore, #tpu.memory_space<semaphore_mem>>
      %dma_start3A_66 = arith.constant 0 : i32
      %dma_start3A_67 = arith.constant 0 : i32
      %dma_start3A_68 = tpu.memref_slice %arg9[%dma_start3A_66, %dma_start3A_67] : memref<128x128xf32, #tpu.memory_space<vmem>> -> memref<16x128xf32, #tpu.memory_space<vmem>>
      %dma_start3A_69 = arith.constant 0 : i32
      %dma_start3A_70 = arith.constant 0 : i32
      %dma_start3A_71 = tpu.memref_slice %arg13[%dma_start3A_69, %dma_start3A_70] : memref<10000x128xf32, #tpu.memory_space<vmem_shared>> -> memref<10000x128xf32, #tpu.memory_space<vmem_shared>>
      tpu.enqueue_indirect_dma source(%dma_start3A_68 : memref<16x128xf32, #tpu.memory_space<vmem>>) target(%dma_start3A_71 : memref<10000x128xf32, #tpu.memory_space<vmem_shared>>) offsets(%arg12 : memref<16xi32, #tpu.memory_space<vmem>>) semaphore(%run_scoped3A : memref<!tpu.dma_semaphore, #tpu.memory_space<semaphore_mem>>) {add = true}
      %dma_wait3A_72 = arith.constant 0 : i32
      %dma_wait3A_73 = arith.constant 0 : i32
      %dma_wait3A_74 = tpu.memref_slice %arg9[%dma_wait3A_72, %dma_wait3A_73] : memref<128x128xf32, #tpu.memory_space<vmem>> -> memref<16x128xf32, #tpu.memory_space<vmem>>
      %dma_wait3A_75 = arith.constant 0 : i32
      %dma_wait3A_76 = arith.constant 0 : i32
      %dma_wait3A_77 = tpu.memref_slice %arg13[%dma_wait3A_75, %dma_wait3A_76] : memref<10000x128xf32, #tpu.memory_space<vmem_shared>> -> memref<10000x128xf32, #tpu.memory_space<vmem_shared>>
      tpu.wait_indirect_dma semaphore(%run_scoped3A : memref<!tpu.dma_semaphore, #tpu.memory_space<semaphore_mem>>) src(%dma_wait3A_74 : memref<16x128xf32, #tpu.memory_space<vmem>>) dst(%dma_wait3A_77 : memref<10000x128xf32, #tpu.memory_space<vmem_shared>>)
      tpu.yield
    }) : () -> ()
    %barrier3A_55 = arith.constant 0 : index
    tpu.barrier barrier_id(%barrier3A_55)
    %lt3A_56 = arith.constant 15 : i32
    %lt3A_57 = arith.cmpi slt, %arg1, %lt3A_56 : i32
    %convert_element_type3A_58 = arith.extui %lt3A_57 : i1 to i32
    %cond3A_59 = arith.constant 0 : i32
    %cond3A_60 = arith.cmpi ne, %convert_element_type3A_58, %cond3A_59 : i32
    scf.if %cond3A_60 {
      %mul3A_66 = arith.constant 624 : i32
      %mul3A_67 = arith.muli %arg1, %mul3A_66 : i32
      %mul3A_68 = arith.constant 624 : i32
      %mul3A_69 = arith.muli %arg1, %mul3A_68 : i32
      "tpu.region"() ({
        %run_scoped3A = tpu.sem_alloc : memref<!tpu.dma_semaphore, #tpu.memory_space<semaphore_mem>>
        %dma_start3A_70 = arith.constant 0 : i32
        %dma_start3A_71 = tpu.memref_slice %arg5[%arg0, %mul3A_69, %dma_start3A_70] : memref<2x10000x128xf32, #tpu.memory_space<hbm>> -> memref<1x624x128xf32, #tpu.memory_space<hbm>>
        %dma_start3A_72 = tpu.memref_squeeze %dma_start3A_71 : memref<1x624x128xf32, #tpu.memory_space<hbm>> -> memref<624x128xf32, #tpu.memory_space<hbm>>
        %dma_start3A_73 = arith.constant 0 : i32
        %dma_start3A_74 = tpu.memref_slice %arg13[%mul3A_67, %dma_start3A_73] : memref<10000x128xf32, #tpu.memory_space<vmem_shared>> -> memref<624x128xf32, #tpu.memory_space<vmem_shared>>
        tpu.enqueue_dma source(%dma_start3A_74 : memref<624x128xf32, #tpu.memory_space<vmem_shared>>) target(%dma_start3A_72 : memref<624x128xf32, #tpu.memory_space<hbm>>) target_semaphore(%run_scoped3A : memref<!tpu.dma_semaphore, #tpu.memory_space<semaphore_mem>>)
        %dma_wait3A_75 = arith.constant 0 : i32
        %dma_wait3A_76 = tpu.memref_slice %arg5[%arg0, %mul3A_69, %dma_wait3A_75] : memref<2x10000x128xf32, #tpu.memory_space<hbm>> -> memref<1x624x128xf32, #tpu.memory_space<hbm>>
        %dma_wait3A_77 = tpu.memref_squeeze %dma_wait3A_76 : memref<1x624x128xf32, #tpu.memory_space<hbm>> -> memref<624x128xf32, #tpu.memory_space<hbm>>
        %dma_wait3A_78 = arith.constant 0 : i32
        %dma_wait3A_79 = tpu.memref_slice %arg13[%mul3A_67, %dma_wait3A_78] : memref<10000x128xf32, #tpu.memory_space<vmem_shared>> -> memref<624x128xf32, #tpu.memory_space<vmem_shared>>
        tpu.wait_dma2 semaphore(%run_scoped3A : memref<!tpu.dma_semaphore, #tpu.memory_space<semaphore_mem>>) src(%dma_wait3A_79 : memref<624x128xf32, #tpu.memory_space<vmem_shared>>) dst(%dma_wait3A_77 : memref<624x128xf32, #tpu.memory_space<hbm>>)
        tpu.yield
      }) : () -> ()
    } else {
    }
    %eq3A_61 = arith.constant 15 : i32
    %eq3A_62 = arith.cmpi eq, %arg1, %eq3A_61 : i32
    %convert_element_type3A_63 = arith.extui %eq3A_62 : i1 to i32
    %cond3A_64 = arith.constant 0 : i32
    %cond3A_65 = arith.cmpi ne, %convert_element_type3A_63, %cond3A_64 : i32
    scf.if %cond3A_65 {
      %mul3A_66 = arith.constant 624 : i32
      %mul3A_67 = arith.muli %arg1, %mul3A_66 : i32
      %mul3A_68 = arith.constant 624 : i32
      %mul3A_69 = arith.muli %arg1, %mul3A_68 : i32
      "tpu.region"() ({
        %run_scoped3A = tpu.sem_alloc : memref<!tpu.dma_semaphore, #tpu.memory_space<semaphore_mem>>
        %dma_start3A_70 = arith.constant 0 : i32
        %dma_start3A_71 = tpu.memref_slice %arg5[%arg0, %mul3A_69, %dma_start3A_70] : memref<2x10000x128xf32, #tpu.memory_space<hbm>> -> memref<1x640x128xf32, #tpu.memory_space<hbm>>
        %dma_start3A_72 = tpu.memref_squeeze %dma_start3A_71 : memref<1x640x128xf32, #tpu.memory_space<hbm>> -> memref<640x128xf32, #tpu.memory_space<hbm>>
        %dma_start3A_73 = arith.constant 0 : i32
        %dma_start3A_74 = tpu.memref_slice %arg13[%mul3A_67, %dma_start3A_73] : memref<10000x128xf32, #tpu.memory_space<vmem_shared>> -> memref<640x128xf32, #tpu.memory_space<vmem_shared>>
        tpu.enqueue_dma source(%dma_start3A_74 : memref<640x128xf32, #tpu.memory_space<vmem_shared>>) target(%dma_start3A_72 : memref<640x128xf32, #tpu.memory_space<hbm>>) target_semaphore(%run_scoped3A : memref<!tpu.dma_semaphore, #tpu.memory_space<semaphore_mem>>)
        %dma_wait3A_75 = arith.constant 0 : i32
        %dma_wait3A_76 = tpu.memref_slice %arg5[%arg0, %mul3A_69, %dma_wait3A_75] : memref<2x10000x128xf32, #tpu.memory_space<hbm>> -> memref<1x640x128xf32, #tpu.memory_space<hbm>>
        %dma_wait3A_77 = tpu.memref_squeeze %dma_wait3A_76 : memref<1x640x128xf32, #tpu.memory_space<hbm>> -> memref<640x128xf32, #tpu.memory_space<hbm>>
        %dma_wait3A_78 = arith.constant 0 : i32
        %dma_wait3A_79 = tpu.memref_slice %arg13[%mul3A_67, %dma_wait3A_78] : memref<10000x128xf32, #tpu.memory_space<vmem_shared>> -> memref<640x128xf32, #tpu.memory_space<vmem_shared>>
        tpu.wait_dma2 semaphore(%run_scoped3A : memref<!tpu.dma_semaphore, #tpu.memory_space<semaphore_mem>>) src(%dma_wait3A_79 : memref<640x128xf32, #tpu.memory_space<vmem_shared>>) dst(%dma_wait3A_77 : memref<640x128xf32, #tpu.memory_space<hbm>>)
        tpu.yield
      }) : () -> ()
    } else {
    }
    return
  }
}

#map = affine_map<(d0, d1) -> (0, 0)>
#map1 = affine_map<(d0, d1) -> (0)>
#map2 = affine_map<(d0, d1) -> (0, 0, 0)>
module attributes {stable_mosaic.version = 14 : i64} {
  func.func @_sc_agg(%arg0: i32, %arg1: i32, %arg2: memref<10000x128xf32, #tpu.memory_space<hbm>>, %arg3: memref<640000xi32, #tpu.memory_space<hbm>>, %arg4: memref<640x128xf32, #tpu.memory_space<hbm>>, %arg5: memref<2x10000x128xf32, #tpu.memory_space<hbm>>, %arg6: memref<9984xi32, #tpu.memory_space<vmem>>, %arg7: memref<128xi32, #tpu.memory_space<vmem>>, %arg8: memref<128xi32, #tpu.memory_space<vmem>>, %arg9: memref<128x128xf32, #tpu.memory_space<vmem>>, %arg10: memref<128x128xf32, #tpu.memory_space<vmem>>, %arg11: memref<16xi32, #tpu.memory_space<vmem>>, %arg12: memref<16xi32, #tpu.memory_space<vmem>>, %arg13: memref<10000x128xf32, #tpu.memory_space<vmem_shared>>, %arg14: memref<!tpu.dma_semaphore, #tpu.memory_space<semaphore_mem>>, %arg15: memref<!tpu.dma_semaphore, #tpu.memory_space<semaphore_mem>>, %arg16: memref<!tpu.dma_semaphore, #tpu.memory_space<semaphore_mem>>, %arg17: memref<!tpu.dma_semaphore, #tpu.memory_space<semaphore_mem>>) attributes {dimension_semantics = [#tpu.dimension_semantics<core_parallel>, #tpu.dimension_semantics<subcore_parallel>], iteration_bounds = array<i64: 2, 16>, scalar_prefetch = 0 : i64, scratch_operands = 12 : i64, tpu.core_type = #tpu.core_type<sc_vector_subcore>, window_params = [{transform_indices = #map}, {transform_indices = #map1}, {transform_indices = #map}, {transform_indices = #map2}]} {
    %mul3A = arith.constant 16 : i32
    %mul3A_0 = arith.muli %arg0, %mul3A : i32
    %add3A = arith.addi %mul3A_0, %arg1 : i32
    %mul3A_1 = arith.constant 10000 : i32
    %mul3A_2 = arith.muli %add3A, %mul3A_1 : i32
    %mul3A_3 = arith.constant 10000 : i32
    %mul3A_4 = arith.muli %add3A, %mul3A_3 : i32
    %add3A_5 = arith.constant 320000 : i32
    %add3A_6 = arith.addi %add3A_5, %mul3A_4 : i32
    %dma_start3A = tpu.memref_slice %arg3[%mul3A_2] : memref<640000xi32, #tpu.memory_space<hbm>> -> memref<9984xi32, #tpu.memory_space<hbm>>
    %dma_start3A_7 = tpu.memref_slice %arg3[%mul3A_2] : memref<640000xi32, #tpu.memory_space<hbm>> -> memref<9984xi32, #tpu.memory_space<hbm>>
    tpu.enqueue_dma source(%dma_start3A_7 : memref<9984xi32, #tpu.memory_space<hbm>>) target(%arg6 : memref<9984xi32, #tpu.memory_space<vmem>>) target_semaphore(%arg14 : memref<!tpu.dma_semaphore, #tpu.memory_space<semaphore_mem>>)
    %add3A_8 = arith.constant 9984 : i32
    %add3A_9 = arith.addi %mul3A_2, %add3A_8 : i32
    %dma_start3A_10 = tpu.memref_slice %arg3[%add3A_9] : memref<640000xi32, #tpu.memory_space<hbm>> -> memref<16xi32, #tpu.memory_space<hbm>>
    %dma_start3A_11 = tpu.memref_slice %arg3[%add3A_9] : memref<640000xi32, #tpu.memory_space<hbm>> -> memref<16xi32, #tpu.memory_space<hbm>>
    tpu.enqueue_dma source(%dma_start3A_11 : memref<16xi32, #tpu.memory_space<hbm>>) target(%arg11 : memref<16xi32, #tpu.memory_space<vmem>>) target_semaphore(%arg15 : memref<!tpu.dma_semaphore, #tpu.memory_space<semaphore_mem>>)
    %add3A_12 = arith.constant 9984 : i32
    %add3A_13 = arith.addi %add3A_6, %add3A_12 : i32
    %dma_start3A_14 = tpu.memref_slice %arg3[%add3A_13] : memref<640000xi32, #tpu.memory_space<hbm>> -> memref<16xi32, #tpu.memory_space<hbm>>
    %dma_start3A_15 = tpu.memref_slice %arg3[%add3A_13] : memref<640000xi32, #tpu.memory_space<hbm>> -> memref<16xi32, #tpu.memory_space<hbm>>
    tpu.enqueue_dma source(%dma_start3A_15 : memref<16xi32, #tpu.memory_space<hbm>>) target(%arg12 : memref<16xi32, #tpu.memory_space<vmem>>) target_semaphore(%arg17 : memref<!tpu.dma_semaphore, #tpu.memory_space<semaphore_mem>>)
    %lt3A = arith.constant 15 : i32
    %lt3A_16 = arith.cmpi slt, %arg1, %lt3A : i32
    %convert_element_type3A = arith.extui %lt3A_16 : i1 to i32
    %cond3A = arith.constant 0 : i32
    %cond3A_17 = arith.cmpi ne, %convert_element_type3A, %cond3A : i32
    scf.if %cond3A_17 {
      %mul3A_66 = arith.constant 624 : i32
      %mul3A_67 = arith.muli %arg1, %mul3A_66 : i32
      "tpu.region"() ({
        %run_scoped3A = tpu.sem_alloc : memref<!tpu.dma_semaphore, #tpu.memory_space<semaphore_mem>>
        %dma_start3A_68 = arith.constant 0 : i32
        %dma_start3A_69 = tpu.memref_slice %arg13[%mul3A_67, %dma_start3A_68] : memref<10000x128xf32, #tpu.memory_space<vmem_shared>> -> memref<624x128xf32, #tpu.memory_space<vmem_shared>>
        %dma_start3A_70 = arith.constant 0 : i32
        %dma_start3A_71 = arith.constant 0 : i32
        %dma_start3A_72 = tpu.memref_slice %arg4[%dma_start3A_70, %dma_start3A_71] : memref<640x128xf32, #tpu.memory_space<hbm>> -> memref<624x128xf32, #tpu.memory_space<hbm>>
        tpu.enqueue_dma source(%dma_start3A_72 : memref<624x128xf32, #tpu.memory_space<hbm>>) target(%dma_start3A_69 : memref<624x128xf32, #tpu.memory_space<vmem_shared>>) target_semaphore(%run_scoped3A : memref<!tpu.dma_semaphore, #tpu.memory_space<semaphore_mem>>)
        %dma_wait3A_73 = arith.constant 0 : i32
        %dma_wait3A_74 = tpu.memref_slice %arg13[%mul3A_67, %dma_wait3A_73] : memref<10000x128xf32, #tpu.memory_space<vmem_shared>> -> memref<624x128xf32, #tpu.memory_space<vmem_shared>>
        %dma_wait3A_75 = arith.constant 0 : i32
        %dma_wait3A_76 = arith.constant 0 : i32
        %dma_wait3A_77 = tpu.memref_slice %arg4[%dma_wait3A_75, %dma_wait3A_76] : memref<640x128xf32, #tpu.memory_space<hbm>> -> memref<624x128xf32, #tpu.memory_space<hbm>>
        tpu.wait_dma2 semaphore(%run_scoped3A : memref<!tpu.dma_semaphore, #tpu.memory_space<semaphore_mem>>) src(%dma_wait3A_77 : memref<624x128xf32, #tpu.memory_space<hbm>>) dst(%dma_wait3A_74 : memref<624x128xf32, #tpu.memory_space<vmem_shared>>)
        tpu.yield
      }) : () -> ()
    } else {
    }
    %eq3A = arith.constant 15 : i32
    %eq3A_18 = arith.cmpi eq, %arg1, %eq3A : i32
    %convert_element_type3A_19 = arith.extui %eq3A_18 : i1 to i32
    %cond3A_20 = arith.constant 0 : i32
    %cond3A_21 = arith.cmpi ne, %convert_element_type3A_19, %cond3A_20 : i32
    scf.if %cond3A_21 {
      %mul3A_66 = arith.constant 624 : i32
      %mul3A_67 = arith.muli %arg1, %mul3A_66 : i32
      "tpu.region"() ({
        %run_scoped3A = tpu.sem_alloc : memref<!tpu.dma_semaphore, #tpu.memory_space<semaphore_mem>>
        %dma_start3A_68 = arith.constant 0 : i32
        %dma_start3A_69 = tpu.memref_slice %arg13[%mul3A_67, %dma_start3A_68] : memref<10000x128xf32, #tpu.memory_space<vmem_shared>> -> memref<640x128xf32, #tpu.memory_space<vmem_shared>>
        tpu.enqueue_dma source(%arg4 : memref<640x128xf32, #tpu.memory_space<hbm>>) target(%dma_start3A_69 : memref<640x128xf32, #tpu.memory_space<vmem_shared>>) target_semaphore(%run_scoped3A : memref<!tpu.dma_semaphore, #tpu.memory_space<semaphore_mem>>)
        %dma_wait3A_70 = arith.constant 0 : i32
        %dma_wait3A_71 = tpu.memref_slice %arg13[%mul3A_67, %dma_wait3A_70] : memref<10000x128xf32, #tpu.memory_space<vmem_shared>> -> memref<640x128xf32, #tpu.memory_space<vmem_shared>>
        tpu.wait_dma2 semaphore(%run_scoped3A : memref<!tpu.dma_semaphore, #tpu.memory_space<semaphore_mem>>) src(%arg4 : memref<640x128xf32, #tpu.memory_space<hbm>>) dst(%dma_wait3A_71 : memref<640x128xf32, #tpu.memory_space<vmem_shared>>)
        tpu.yield
      }) : () -> ()
    } else {
    }
    %dma_wait3A = tpu.memref_slice %arg3[%mul3A_2] : memref<640000xi32, #tpu.memory_space<hbm>> -> memref<9984xi32, #tpu.memory_space<hbm>>
    %dma_wait3A_22 = tpu.memref_slice %arg3[%mul3A_2] : memref<640000xi32, #tpu.memory_space<hbm>> -> memref<9984xi32, #tpu.memory_space<hbm>>
    tpu.wait_dma2 semaphore(%arg14 : memref<!tpu.dma_semaphore, #tpu.memory_space<semaphore_mem>>) src(%dma_wait3A_22 : memref<9984xi32, #tpu.memory_space<hbm>>) dst(%arg6 : memref<9984xi32, #tpu.memory_space<vmem>>)
    %add3A_23 = arith.constant 9984 : i32
    %add3A_24 = arith.addi %mul3A_2, %add3A_23 : i32
    %dma_wait3A_25 = tpu.memref_slice %arg3[%add3A_24] : memref<640000xi32, #tpu.memory_space<hbm>> -> memref<16xi32, #tpu.memory_space<hbm>>
    %dma_wait3A_26 = tpu.memref_slice %arg3[%add3A_24] : memref<640000xi32, #tpu.memory_space<hbm>> -> memref<16xi32, #tpu.memory_space<hbm>>
    tpu.wait_dma2 semaphore(%arg15 : memref<!tpu.dma_semaphore, #tpu.memory_space<semaphore_mem>>) src(%dma_wait3A_26 : memref<16xi32, #tpu.memory_space<hbm>>) dst(%arg11 : memref<16xi32, #tpu.memory_space<vmem>>)
    %add3A_27 = arith.constant 9984 : i32
    %add3A_28 = arith.addi %add3A_6, %add3A_27 : i32
    %dma_wait3A_29 = tpu.memref_slice %arg3[%add3A_28] : memref<640000xi32, #tpu.memory_space<hbm>> -> memref<16xi32, #tpu.memory_space<hbm>>
    %dma_wait3A_30 = tpu.memref_slice %arg3[%add3A_28] : memref<640000xi32, #tpu.memory_space<hbm>> -> memref<16xi32, #tpu.memory_space<hbm>>
    tpu.wait_dma2 semaphore(%arg17 : memref<!tpu.dma_semaphore, #tpu.memory_space<semaphore_mem>>) src(%dma_wait3A_30 : memref<16xi32, #tpu.memory_space<hbm>>) dst(%arg12 : memref<16xi32, #tpu.memory_space<vmem>>)
    %dma_start3A_31 = arith.constant 0 : i32
    %dma_start3A_32 = tpu.memref_slice %arg6[%dma_start3A_31] : memref<9984xi32, #tpu.memory_space<vmem>> -> memref<128xi32, #tpu.memory_space<vmem>>
    %dma_start3A_33 = arith.constant 0 : i32
    %dma_start3A_34 = arith.constant 0 : i32
    %dma_start3A_35 = tpu.memref_slice %arg2[%dma_start3A_33, %dma_start3A_34] : memref<10000x128xf32, #tpu.memory_space<hbm>> -> memref<10000x128xf32, #tpu.memory_space<hbm>>
    tpu.enqueue_indirect_dma source(%dma_start3A_35 : memref<10000x128xf32, #tpu.memory_space<hbm>>) target(%arg9 : memref<128x128xf32, #tpu.memory_space<vmem>>) offsets(%dma_start3A_32 : memref<128xi32, #tpu.memory_space<vmem>>) semaphore(%arg14 : memref<!tpu.dma_semaphore, #tpu.memory_space<semaphore_mem>>)
    %dma_start3A_36 = tpu.memref_slice %arg3[%add3A_6] : memref<640000xi32, #tpu.memory_space<hbm>> -> memref<128xi32, #tpu.memory_space<hbm>>
    %dma_start3A_37 = tpu.memref_slice %arg3[%add3A_6] : memref<640000xi32, #tpu.memory_space<hbm>> -> memref<128xi32, #tpu.memory_space<hbm>>
    tpu.enqueue_dma source(%dma_start3A_37 : memref<128xi32, #tpu.memory_space<hbm>>) target(%arg7 : memref<128xi32, #tpu.memory_space<vmem>>) target_semaphore(%arg16 : memref<!tpu.dma_semaphore, #tpu.memory_space<semaphore_mem>>)
    %barrier3A = arith.constant 0 : index
    tpu.barrier barrier_id(%barrier3A)
    %scan3A = arith.constant 0 : i32
    %scan3A_38 = arith.constant 0 : i32
    %scan3A_39 = arith.constant 39 : i32
    %scan3A_40 = arith.addi %scan3A_38, %scan3A_39 : i32
    %scan3A_41 = arith.constant 1 : i32
    scf.for %scan3A_66 = %scan3A_38 to %scan3A_40 step %scan3A_41  : i32 {
      %mul3A_67 = arith.constant 2 : i32
      %mul3A_68 = arith.muli %scan3A_66, %mul3A_67 : i32
      %add3A_69 = arith.constant 0 : i32
      %add3A_70 = arith.addi %mul3A_68, %add3A_69 : i32
      %add3A_71 = arith.constant 1 : i32
      %add3A_72 = arith.addi %add3A_70, %add3A_71 : i32
      %lt3A_73 = arith.constant 78 : i32
      %lt3A_74 = arith.cmpi slt, %add3A_72, %lt3A_73 : i32
      %convert_element_type3A_75 = arith.extui %lt3A_74 : i1 to i32
      %cond3A_76 = arith.constant 0 : i32
      %cond3A_77 = arith.cmpi ne, %convert_element_type3A_75, %cond3A_76 : i32
      scf.if %cond3A_77 {
        %mul3A_111 = arith.constant 128 : i32
        %mul3A_112 = arith.muli %add3A_72, %mul3A_111 : i32
        %dma_start3A_113 = tpu.memref_slice %arg6[%mul3A_112] : memref<9984xi32, #tpu.memory_space<vmem>> -> memref<128xi32, #tpu.memory_space<vmem>>
        %dma_start3A_114 = arith.constant 0 : i32
        %dma_start3A_115 = arith.constant 0 : i32
        %dma_start3A_116 = tpu.memref_slice %arg2[%dma_start3A_114, %dma_start3A_115] : memref<10000x128xf32, #tpu.memory_space<hbm>> -> memref<10000x128xf32, #tpu.memory_space<hbm>>
        tpu.enqueue_indirect_dma source(%dma_start3A_116 : memref<10000x128xf32, #tpu.memory_space<hbm>>) target(%arg10 : memref<128x128xf32, #tpu.memory_space<vmem>>) offsets(%dma_start3A_113 : memref<128xi32, #tpu.memory_space<vmem>>) semaphore(%arg15 : memref<!tpu.dma_semaphore, #tpu.memory_space<semaphore_mem>>)
        %mul3A_117 = arith.constant 128 : i32
        %mul3A_118 = arith.muli %add3A_72, %mul3A_117 : i32
        %add3A_119 = arith.addi %add3A_6, %mul3A_118 : i32
        %dma_start3A_120 = tpu.memref_slice %arg3[%add3A_119] : memref<640000xi32, #tpu.memory_space<hbm>> -> memref<128xi32, #tpu.memory_space<hbm>>
        %dma_start3A_121 = tpu.memref_slice %arg3[%add3A_119] : memref<640000xi32, #tpu.memory_space<hbm>> -> memref<128xi32, #tpu.memory_space<hbm>>
        tpu.enqueue_dma source(%dma_start3A_121 : memref<128xi32, #tpu.memory_space<hbm>>) target(%arg8 : memref<128xi32, #tpu.memory_space<vmem>>) target_semaphore(%arg17 : memref<!tpu.dma_semaphore, #tpu.memory_space<semaphore_mem>>)
      } else {
      }
      %mul3A_78 = arith.constant 128 : i32
      %mul3A_79 = arith.muli %add3A_70, %mul3A_78 : i32
      %dma_wait3A_80 = tpu.memref_slice %arg6[%mul3A_79] : memref<9984xi32, #tpu.memory_space<vmem>> -> memref<128xi32, #tpu.memory_space<vmem>>
      %dma_wait3A_81 = arith.constant 0 : i32
      %dma_wait3A_82 = arith.constant 0 : i32
      %dma_wait3A_83 = tpu.memref_slice %arg2[%dma_wait3A_81, %dma_wait3A_82] : memref<10000x128xf32, #tpu.memory_space<hbm>> -> memref<10000x128xf32, #tpu.memory_space<hbm>>
      tpu.wait_indirect_dma semaphore(%arg14 : memref<!tpu.dma_semaphore, #tpu.memory_space<semaphore_mem>>) src(%dma_wait3A_83 : memref<10000x128xf32, #tpu.memory_space<hbm>>) dst(%arg9 : memref<128x128xf32, #tpu.memory_space<vmem>>)
      %mul3A_84 = arith.constant 128 : i32
      %mul3A_85 = arith.muli %add3A_70, %mul3A_84 : i32
      %add3A_86 = arith.addi %add3A_6, %mul3A_85 : i32
      %dma_wait3A_87 = tpu.memref_slice %arg3[%add3A_86] : memref<640000xi32, #tpu.memory_space<hbm>> -> memref<128xi32, #tpu.memory_space<hbm>>
      %dma_wait3A_88 = tpu.memref_slice %arg3[%add3A_86] : memref<640000xi32, #tpu.memory_space<hbm>> -> memref<128xi32, #tpu.memory_space<hbm>>
      tpu.wait_dma2 semaphore(%arg16 : memref<!tpu.dma_semaphore, #tpu.memory_space<semaphore_mem>>) src(%dma_wait3A_88 : memref<128xi32, #tpu.memory_space<hbm>>) dst(%arg7 : memref<128xi32, #tpu.memory_space<vmem>>)
      "tpu.region"() ({
        %run_scoped3A = tpu.sem_alloc : memref<!tpu.dma_semaphore, #tpu.memory_space<semaphore_mem>>
        %dma_start3A_111 = arith.constant 0 : i32
        %dma_start3A_112 = arith.constant 0 : i32
        %dma_start3A_113 = tpu.memref_slice %arg13[%dma_start3A_111, %dma_start3A_112] : memref<10000x128xf32, #tpu.memory_space<vmem_shared>> -> memref<10000x128xf32, #tpu.memory_space<vmem_shared>>
        tpu.enqueue_indirect_dma source(%arg9 : memref<128x128xf32, #tpu.memory_space<vmem>>) target(%dma_start3A_113 : memref<10000x128xf32, #tpu.memory_space<vmem_shared>>) offsets(%arg7 : memref<128xi32, #tpu.memory_space<vmem>>) semaphore(%run_scoped3A : memref<!tpu.dma_semaphore, #tpu.memory_space<semaphore_mem>>) {add = true}
        %dma_wait3A_114 = arith.constant 0 : i32
        %dma_wait3A_115 = arith.constant 0 : i32
        %dma_wait3A_116 = tpu.memref_slice %arg13[%dma_wait3A_114, %dma_wait3A_115] : memref<10000x128xf32, #tpu.memory_space<vmem_shared>> -> memref<10000x128xf32, #tpu.memory_space<vmem_shared>>
        tpu.wait_indirect_dma semaphore(%run_scoped3A : memref<!tpu.dma_semaphore, #tpu.memory_space<semaphore_mem>>) src(%arg9 : memref<128x128xf32, #tpu.memory_space<vmem>>) dst(%dma_wait3A_116 : memref<10000x128xf32, #tpu.memory_space<vmem_shared>>)
        tpu.yield
      }) : () -> ()
      %mul3A_89 = arith.constant 2 : i32
      %mul3A_90 = arith.muli %scan3A_66, %mul3A_89 : i32
      %add3A_91 = arith.constant 1 : i32
      %add3A_92 = arith.addi %mul3A_90, %add3A_91 : i32
      %add3A_93 = arith.constant 1 : i32
      %add3A_94 = arith.addi %add3A_92, %add3A_93 : i32
      %lt3A_95 = arith.constant 78 : i32
      %lt3A_96 = arith.cmpi slt, %add3A_94, %lt3A_95 : i32
      %convert_element_type3A_97 = arith.extui %lt3A_96 : i1 to i32
      %cond3A_98 = arith.constant 0 : i32
      %cond3A_99 = arith.cmpi ne, %convert_element_type3A_97, %cond3A_98 : i32
      scf.if %cond3A_99 {
        %mul3A_111 = arith.constant 128 : i32
        %mul3A_112 = arith.muli %add3A_94, %mul3A_111 : i32
        %dma_start3A_113 = tpu.memref_slice %arg6[%mul3A_112] : memref<9984xi32, #tpu.memory_space<vmem>> -> memref<128xi32, #tpu.memory_space<vmem>>
        %dma_start3A_114 = arith.constant 0 : i32
        %dma_start3A_115 = arith.constant 0 : i32
        %dma_start3A_116 = tpu.memref_slice %arg2[%dma_start3A_114, %dma_start3A_115] : memref<10000x128xf32, #tpu.memory_space<hbm>> -> memref<10000x128xf32, #tpu.memory_space<hbm>>
        tpu.enqueue_indirect_dma source(%dma_start3A_116 : memref<10000x128xf32, #tpu.memory_space<hbm>>) target(%arg9 : memref<128x128xf32, #tpu.memory_space<vmem>>) offsets(%dma_start3A_113 : memref<128xi32, #tpu.memory_space<vmem>>) semaphore(%arg14 : memref<!tpu.dma_semaphore, #tpu.memory_space<semaphore_mem>>)
        %mul3A_117 = arith.constant 128 : i32
        %mul3A_118 = arith.muli %add3A_94, %mul3A_117 : i32
        %add3A_119 = arith.addi %add3A_6, %mul3A_118 : i32
        %dma_start3A_120 = tpu.memref_slice %arg3[%add3A_119] : memref<640000xi32, #tpu.memory_space<hbm>> -> memref<128xi32, #tpu.memory_space<hbm>>
        %dma_start3A_121 = tpu.memref_slice %arg3[%add3A_119] : memref<640000xi32, #tpu.memory_space<hbm>> -> memref<128xi32, #tpu.memory_space<hbm>>
        tpu.enqueue_dma source(%dma_start3A_121 : memref<128xi32, #tpu.memory_space<hbm>>) target(%arg7 : memref<128xi32, #tpu.memory_space<vmem>>) target_semaphore(%arg16 : memref<!tpu.dma_semaphore, #tpu.memory_space<semaphore_mem>>)
      } else {
      }
      %mul3A_100 = arith.constant 128 : i32
      %mul3A_101 = arith.muli %add3A_92, %mul3A_100 : i32
      %dma_wait3A_102 = tpu.memref_slice %arg6[%mul3A_101] : memref<9984xi32, #tpu.memory_space<vmem>> -> memref<128xi32, #tpu.memory_space<vmem>>
      %dma_wait3A_103 = arith.constant 0 : i32
      %dma_wait3A_104 = arith.constant 0 : i32
      %dma_wait3A_105 = tpu.memref_slice %arg2[%dma_wait3A_103, %dma_wait3A_104] : memref<10000x128xf32, #tpu.memory_space<hbm>> -> memref<10000x128xf32, #tpu.memory_space<hbm>>
      tpu.wait_indirect_dma semaphore(%arg15 : memref<!tpu.dma_semaphore, #tpu.memory_space<semaphore_mem>>) src(%dma_wait3A_105 : memref<10000x128xf32, #tpu.memory_space<hbm>>) dst(%arg10 : memref<128x128xf32, #tpu.memory_space<vmem>>)
      %mul3A_106 = arith.constant 128 : i32
      %mul3A_107 = arith.muli %add3A_92, %mul3A_106 : i32
      %add3A_108 = arith.addi %add3A_6, %mul3A_107 : i32
      %dma_wait3A_109 = tpu.memref_slice %arg3[%add3A_108] : memref<640000xi32, #tpu.memory_space<hbm>> -> memref<128xi32, #tpu.memory_space<hbm>>
      %dma_wait3A_110 = tpu.memref_slice %arg3[%add3A_108] : memref<640000xi32, #tpu.memory_space<hbm>> -> memref<128xi32, #tpu.memory_space<hbm>>
      tpu.wait_dma2 semaphore(%arg17 : memref<!tpu.dma_semaphore, #tpu.memory_space<semaphore_mem>>) src(%dma_wait3A_110 : memref<128xi32, #tpu.memory_space<hbm>>) dst(%arg8 : memref<128xi32, #tpu.memory_space<vmem>>)
      "tpu.region"() ({
        %run_scoped3A = tpu.sem_alloc : memref<!tpu.dma_semaphore, #tpu.memory_space<semaphore_mem>>
        %dma_start3A_111 = arith.constant 0 : i32
        %dma_start3A_112 = arith.constant 0 : i32
        %dma_start3A_113 = tpu.memref_slice %arg13[%dma_start3A_111, %dma_start3A_112] : memref<10000x128xf32, #tpu.memory_space<vmem_shared>> -> memref<10000x128xf32, #tpu.memory_space<vmem_shared>>
        tpu.enqueue_indirect_dma source(%arg10 : memref<128x128xf32, #tpu.memory_space<vmem>>) target(%dma_start3A_113 : memref<10000x128xf32, #tpu.memory_space<vmem_shared>>) offsets(%arg8 : memref<128xi32, #tpu.memory_space<vmem>>) semaphore(%run_scoped3A : memref<!tpu.dma_semaphore, #tpu.memory_space<semaphore_mem>>) {add = true}
        %dma_wait3A_114 = arith.constant 0 : i32
        %dma_wait3A_115 = arith.constant 0 : i32
        %dma_wait3A_116 = tpu.memref_slice %arg13[%dma_wait3A_114, %dma_wait3A_115] : memref<10000x128xf32, #tpu.memory_space<vmem_shared>> -> memref<10000x128xf32, #tpu.memory_space<vmem_shared>>
        tpu.wait_indirect_dma semaphore(%run_scoped3A : memref<!tpu.dma_semaphore, #tpu.memory_space<semaphore_mem>>) src(%arg10 : memref<128x128xf32, #tpu.memory_space<vmem>>) dst(%dma_wait3A_116 : memref<10000x128xf32, #tpu.memory_space<vmem_shared>>)
        tpu.yield
      }) : () -> ()
    }
    %scan3A_42 = arith.constant 39 : i32
    %dma_start3A_43 = arith.constant 0 : i32
    %dma_start3A_44 = arith.constant 0 : i32
    %dma_start3A_45 = tpu.memref_slice %arg9[%dma_start3A_43, %dma_start3A_44] : memref<128x128xf32, #tpu.memory_space<vmem>> -> memref<16x128xf32, #tpu.memory_space<vmem>>
    %dma_start3A_46 = arith.constant 0 : i32
    %dma_start3A_47 = arith.constant 0 : i32
    %dma_start3A_48 = tpu.memref_slice %arg2[%dma_start3A_46, %dma_start3A_47] : memref<10000x128xf32, #tpu.memory_space<hbm>> -> memref<10000x128xf32, #tpu.memory_space<hbm>>
    tpu.enqueue_indirect_dma source(%dma_start3A_48 : memref<10000x128xf32, #tpu.memory_space<hbm>>) target(%dma_start3A_45 : memref<16x128xf32, #tpu.memory_space<vmem>>) offsets(%arg11 : memref<16xi32, #tpu.memory_space<vmem>>) semaphore(%arg14 : memref<!tpu.dma_semaphore, #tpu.memory_space<semaphore_mem>>)
    %dma_wait3A_49 = arith.constant 0 : i32
    %dma_wait3A_50 = arith.constant 0 : i32
    %dma_wait3A_51 = tpu.memref_slice %arg9[%dma_wait3A_49, %dma_wait3A_50] : memref<128x128xf32, #tpu.memory_space<vmem>> -> memref<16x128xf32, #tpu.memory_space<vmem>>
    %dma_wait3A_52 = arith.constant 0 : i32
    %dma_wait3A_53 = arith.constant 0 : i32
    %dma_wait3A_54 = tpu.memref_slice %arg2[%dma_wait3A_52, %dma_wait3A_53] : memref<10000x128xf32, #tpu.memory_space<hbm>> -> memref<10000x128xf32, #tpu.memory_space<hbm>>
    tpu.wait_indirect_dma semaphore(%arg14 : memref<!tpu.dma_semaphore, #tpu.memory_space<semaphore_mem>>) src(%dma_wait3A_54 : memref<10000x128xf32, #tpu.memory_space<hbm>>) dst(%dma_wait3A_51 : memref<16x128xf32, #tpu.memory_space<vmem>>)
    "tpu.region"() ({
      %run_scoped3A = tpu.sem_alloc : memref<!tpu.dma_semaphore, #tpu.memory_space<semaphore_mem>>
      %dma_start3A_66 = arith.constant 0 : i32
      %dma_start3A_67 = arith.constant 0 : i32
      %dma_start3A_68 = tpu.memref_slice %arg9[%dma_start3A_66, %dma_start3A_67] : memref<128x128xf32, #tpu.memory_space<vmem>> -> memref<16x128xf32, #tpu.memory_space<vmem>>
      %dma_start3A_69 = arith.constant 0 : i32
      %dma_start3A_70 = arith.constant 0 : i32
      %dma_start3A_71 = tpu.memref_slice %arg13[%dma_start3A_69, %dma_start3A_70] : memref<10000x128xf32, #tpu.memory_space<vmem_shared>> -> memref<10000x128xf32, #tpu.memory_space<vmem_shared>>
      tpu.enqueue_indirect_dma source(%dma_start3A_68 : memref<16x128xf32, #tpu.memory_space<vmem>>) target(%dma_start3A_71 : memref<10000x128xf32, #tpu.memory_space<vmem_shared>>) offsets(%arg12 : memref<16xi32, #tpu.memory_space<vmem>>) semaphore(%run_scoped3A : memref<!tpu.dma_semaphore, #tpu.memory_space<semaphore_mem>>) {add = true}
      %dma_wait3A_72 = arith.constant 0 : i32
      %dma_wait3A_73 = arith.constant 0 : i32
      %dma_wait3A_74 = tpu.memref_slice %arg9[%dma_wait3A_72, %dma_wait3A_73] : memref<128x128xf32, #tpu.memory_space<vmem>> -> memref<16x128xf32, #tpu.memory_space<vmem>>
      %dma_wait3A_75 = arith.constant 0 : i32
      %dma_wait3A_76 = arith.constant 0 : i32
      %dma_wait3A_77 = tpu.memref_slice %arg13[%dma_wait3A_75, %dma_wait3A_76] : memref<10000x128xf32, #tpu.memory_space<vmem_shared>> -> memref<10000x128xf32, #tpu.memory_space<vmem_shared>>
      tpu.wait_indirect_dma semaphore(%run_scoped3A : memref<!tpu.dma_semaphore, #tpu.memory_space<semaphore_mem>>) src(%dma_wait3A_74 : memref<16x128xf32, #tpu.memory_space<vmem>>) dst(%dma_wait3A_77 : memref<10000x128xf32, #tpu.memory_space<vmem_shared>>)
      tpu.yield
    }) : () -> ()
    %barrier3A_55 = arith.constant 0 : index
    tpu.barrier barrier_id(%barrier3A_55)
    %lt3A_56 = arith.constant 15 : i32
    %lt3A_57 = arith.cmpi slt, %arg1, %lt3A_56 : i32
    %convert_element_type3A_58 = arith.extui %lt3A_57 : i1 to i32
    %cond3A_59 = arith.constant 0 : i32
    %cond3A_60 = arith.cmpi ne, %convert_element_type3A_58, %cond3A_59 : i32
    scf.if %cond3A_60 {
      %mul3A_66 = arith.constant 624 : i32
      %mul3A_67 = arith.muli %arg1, %mul3A_66 : i32
      %mul3A_68 = arith.constant 624 : i32
      %mul3A_69 = arith.muli %arg1, %mul3A_68 : i32
      "tpu.region"() ({
        %run_scoped3A = tpu.sem_alloc : memref<!tpu.dma_semaphore, #tpu.memory_space<semaphore_mem>>
        %dma_start3A_70 = arith.constant 0 : i32
        %dma_start3A_71 = tpu.memref_slice %arg5[%arg0, %mul3A_69, %dma_start3A_70] : memref<2x10000x128xf32, #tpu.memory_space<hbm>> -> memref<1x624x128xf32, #tpu.memory_space<hbm>>
        %dma_start3A_72 = tpu.memref_squeeze %dma_start3A_71 : memref<1x624x128xf32, #tpu.memory_space<hbm>> -> memref<624x128xf32, #tpu.memory_space<hbm>>
        %dma_start3A_73 = arith.constant 0 : i32
        %dma_start3A_74 = tpu.memref_slice %arg13[%mul3A_67, %dma_start3A_73] : memref<10000x128xf32, #tpu.memory_space<vmem_shared>> -> memref<624x128xf32, #tpu.memory_space<vmem_shared>>
        tpu.enqueue_dma source(%dma_start3A_74 : memref<624x128xf32, #tpu.memory_space<vmem_shared>>) target(%dma_start3A_72 : memref<624x128xf32, #tpu.memory_space<hbm>>) target_semaphore(%run_scoped3A : memref<!tpu.dma_semaphore, #tpu.memory_space<semaphore_mem>>)
        %dma_wait3A_75 = arith.constant 0 : i32
        %dma_wait3A_76 = tpu.memref_slice %arg5[%arg0, %mul3A_69, %dma_wait3A_75] : memref<2x10000x128xf32, #tpu.memory_space<hbm>> -> memref<1x624x128xf32, #tpu.memory_space<hbm>>
        %dma_wait3A_77 = tpu.memref_squeeze %dma_wait3A_76 : memref<1x624x128xf32, #tpu.memory_space<hbm>> -> memref<624x128xf32, #tpu.memory_space<hbm>>
        %dma_wait3A_78 = arith.constant 0 : i32
        %dma_wait3A_79 = tpu.memref_slice %arg13[%mul3A_67, %dma_wait3A_78] : memref<10000x128xf32, #tpu.memory_space<vmem_shared>> -> memref<624x128xf32, #tpu.memory_space<vmem_shared>>
        tpu.wait_dma2 semaphore(%run_scoped3A : memref<!tpu.dma_semaphore, #tpu.memory_space<semaphore_mem>>) src(%dma_wait3A_79 : memref<624x128xf32, #tpu.memory_space<vmem_shared>>) dst(%dma_wait3A_77 : memref<624x128xf32, #tpu.memory_space<hbm>>)
        tpu.yield
      }) : () -> ()
    } else {
    }
    %eq3A_61 = arith.constant 15 : i32
    %eq3A_62 = arith.cmpi eq, %arg1, %eq3A_61 : i32
    %convert_element_type3A_63 = arith.extui %eq3A_62 : i1 to i32
    %cond3A_64 = arith.constant 0 : i32
    %cond3A_65 = arith.cmpi ne, %convert_element_type3A_63, %cond3A_64 : i32
    scf.if %cond3A_65 {
      %mul3A_66 = arith.constant 624 : i32
      %mul3A_67 = arith.muli %arg1, %mul3A_66 : i32
      %mul3A_68 = arith.constant 624 : i32
      %mul3A_69 = arith.muli %arg1, %mul3A_68 : i32
      "tpu.region"() ({
        %run_scoped3A = tpu.sem_alloc : memref<!tpu.dma_semaphore, #tpu.memory_space<semaphore_mem>>
        %dma_start3A_70 = arith.constant 0 : i32
        %dma_start3A_71 = tpu.memref_slice %arg5[%arg0, %mul3A_69, %dma_start3A_70] : memref<2x10000x128xf32, #tpu.memory_space<hbm>> -> memref<1x640x128xf32, #tpu.memory_space<hbm>>
        %dma_start3A_72 = tpu.memref_squeeze %dma_start3A_71 : memref<1x640x128xf32, #tpu.memory_space<hbm>> -> memref<640x128xf32, #tpu.memory_space<hbm>>
        %dma_start3A_73 = arith.constant 0 : i32
        %dma_start3A_74 = tpu.memref_slice %arg13[%mul3A_67, %dma_start3A_73] : memref<10000x128xf32, #tpu.memory_space<vmem_shared>> -> memref<640x128xf32, #tpu.memory_space<vmem_shared>>
        tpu.enqueue_dma source(%dma_start3A_74 : memref<640x128xf32, #tpu.memory_space<vmem_shared>>) target(%dma_start3A_72 : memref<640x128xf32, #tpu.memory_space<hbm>>) target_semaphore(%run_scoped3A : memref<!tpu.dma_semaphore, #tpu.memory_space<semaphore_mem>>)
        %dma_wait3A_75 = arith.constant 0 : i32
        %dma_wait3A_76 = tpu.memref_slice %arg5[%arg0, %mul3A_69, %dma_wait3A_75] : memref<2x10000x128xf32, #tpu.memory_space<hbm>> -> memref<1x640x128xf32, #tpu.memory_space<hbm>>
        %dma_wait3A_77 = tpu.memref_squeeze %dma_wait3A_76 : memref<1x640x128xf32, #tpu.memory_space<hbm>> -> memref<640x128xf32, #tpu.memory_space<hbm>>
        %dma_wait3A_78 = arith.constant 0 : i32
        %dma_wait3A_79 = tpu.memref_slice %arg13[%mul3A_67, %dma_wait3A_78] : memref<10000x128xf32, #tpu.memory_space<vmem_shared>> -> memref<640x128xf32, #tpu.memory_space<vmem_shared>>
        tpu.wait_dma2 semaphore(%run_scoped3A : memref<!tpu.dma_semaphore, #tpu.memory_space<semaphore_mem>>) src(%dma_wait3A_79 : memref<640x128xf32, #tpu.memory_space<vmem_shared>>) dst(%dma_wait3A_77 : memref<640x128xf32, #tpu.memory_space<hbm>>)
        tpu.yield
      }) : () -> ()
    } else {
    }
    return
  }
}

module attributes {stable_mosaic.version = 14 : i64} {
  func.func @_dense_body(%arg0: memref<10000x128xf32, #tpu.memory_space<vmem>>, %arg1: memref<2x10000x128xf32, #tpu.memory_space<vmem>>, %arg2: memref<1x1xf32, #tpu.memory_space<vmem>>, %arg3: memref<128x256xf32, #tpu.memory_space<vmem>>, %arg4: memref<1x256xf32, #tpu.memory_space<vmem>>, %arg5: memref<256x128xf32, #tpu.memory_space<vmem>>, %arg6: memref<1x128xf32, #tpu.memory_space<vmem>>, %arg7: memref<1x128xf32, #tpu.memory_space<vmem>>, %arg8: memref<1x128xf32, #tpu.memory_space<vmem>>, %arg9: memref<10000x128xf32, #tpu.memory_space<vmem>>) attributes {dimension_semantics = [], scalar_prefetch = 0 : i64, scratch_operands = 0 : i64, tpu.core_type = #tpu.core_type<tc>} {
    %get3A = arith.constant 0 : index
    %get3A_0 = arith.constant 0 : index
    %get3A_1 = vector.load %arg0[%get3A, %get3A_0] : memref<10000x128xf32, #tpu.memory_space<vmem>>, vector<10000x128xf32>
    %get3A_2 = arith.constant 0 : index
    %get3A_3 = arith.constant 0 : index
    %get3A_4 = vector.load %arg2[%get3A_2, %get3A_3] : memref<1x1xf32, #tpu.memory_space<vmem>>, vector<1x1xf32>
    %get3A_5 = vector.extract %get3A_4[0, 0] : f32 from vector<1x1xf32>
    %add3A = arith.constant 1.000000e+00 : f32
    %add3A_6 = arith.addf %add3A, %get3A_5 : f32
    %mul3A = vector.broadcast %add3A_6 : f32 to vector<10000x128xf32>
    %mul3A_7 = arith.mulf %get3A_1, %mul3A : vector<10000x128xf32>
    %get3A_8 = arith.constant 0 : index
    %get3A_9 = arith.constant 0 : index
    %get3A_10 = arith.constant 0 : index
    %get3A_11 = vector.load %arg1[%get3A_8, %get3A_9, %get3A_10] : memref<2x10000x128xf32, #tpu.memory_space<vmem>>, vector<1x10000x128xf32>
    %get3A_12 = vector.shape_cast %get3A_11 : vector<1x10000x128xf32> to vector<10000x128xf32>
    %add3A_13 = arith.addf %mul3A_7, %get3A_12 : vector<10000x128xf32>
    %get3A_14 = arith.constant 1 : index
    %get3A_15 = arith.constant 0 : index
    %get3A_16 = arith.constant 0 : index
    %get3A_17 = vector.load %arg1[%get3A_14, %get3A_15, %get3A_16] : memref<2x10000x128xf32, #tpu.memory_space<vmem>>, vector<1x10000x128xf32>
    %get3A_18 = vector.shape_cast %get3A_17 : vector<1x10000x128xf32> to vector<10000x128xf32>
    %add3A_19 = arith.addf %add3A_13, %get3A_18 : vector<10000x128xf32>
    %get3A_20 = arith.constant 0 : index
    %get3A_21 = arith.constant 0 : index
    %get3A_22 = vector.load %arg3[%get3A_20, %get3A_21] : memref<128x256xf32, #tpu.memory_space<vmem>>, vector<128x256xf32>
    %convert_element_type3A = arith.truncf %add3A_19 : vector<10000x128xf32> to vector<10000x128xbf16>
    %convert_element_type3A_23 = arith.truncf %get3A_22 : vector<128x256xf32> to vector<128x256xbf16>
    %dot_general3A = arith.constant dense<0.000000e+00> : vector<10000x256xf32>
    %dot_general3A_24 = tpu.matmul %convert_element_type3A, %convert_element_type3A_23, %dot_general3A {dimension_numbers = #tpu.dot_dimension_numbers<[1], [0], [0], [1], [0, 0, 1, 1], [], []>, transpose_lhs_hint = false} : vector<10000x128xbf16>, vector<128x256xbf16>, vector<10000x256xf32> -> vector<10000x256xf32>
    %get3A_25 = arith.constant 0 : index
    %get3A_26 = arith.constant 0 : index
    %get3A_27 = vector.load %arg4[%get3A_25, %get3A_26] : memref<1x256xf32, #tpu.memory_space<vmem>>, vector<1x256xf32>
    %add3A_28 = vector.broadcast %get3A_27 : vector<1x256xf32> to vector<10000x256xf32>
    %add3A_29 = arith.addf %dot_general3A_24, %add3A_28 : vector<10000x256xf32>
    %max3A = arith.constant 0.000000e+00 : f32
    %max3A_30 = vector.broadcast %max3A : f32 to vector<10000x256xf32>
    %max3A_31 = arith.maximumf %add3A_29, %max3A_30 : vector<10000x256xf32>
    %get3A_32 = arith.constant 0 : index
    %get3A_33 = arith.constant 0 : index
    %get3A_34 = vector.load %arg5[%get3A_32, %get3A_33] : memref<256x128xf32, #tpu.memory_space<vmem>>, vector<256x128xf32>
    %convert_element_type3A_35 = arith.truncf %max3A_31 : vector<10000x256xf32> to vector<10000x256xbf16>
    %convert_element_type3A_36 = arith.truncf %get3A_34 : vector<256x128xf32> to vector<256x128xbf16>
    %dot_general3A_37 = arith.constant dense<0.000000e+00> : vector<10000x128xf32>
    %dot_general3A_38 = tpu.matmul %convert_element_type3A_35, %convert_element_type3A_36, %dot_general3A_37 {dimension_numbers = #tpu.dot_dimension_numbers<[1], [0], [0], [1], [0, 0, 1, 1], [], []>, transpose_lhs_hint = false} : vector<10000x256xbf16>, vector<256x128xbf16>, vector<10000x128xf32> -> vector<10000x128xf32>
    %get3A_39 = arith.constant 0 : index
    %get3A_40 = arith.constant 0 : index
    %get3A_41 = vector.load %arg6[%get3A_39, %get3A_40] : memref<1x128xf32, #tpu.memory_space<vmem>>, vector<1x128xf32>
    %add3A_42 = vector.broadcast %get3A_41 : vector<1x128xf32> to vector<10000x128xf32>
    %add3A_43 = arith.addf %dot_general3A_38, %add3A_42 : vector<10000x128xf32>
    %max3A_44 = arith.constant 0.000000e+00 : f32
    %max3A_45 = vector.broadcast %max3A_44 : f32 to vector<10000x128xf32>
    %max3A_46 = arith.maximumf %add3A_43, %max3A_45 : vector<10000x128xf32>
    %reduce_sum3A = arith.constant dense<0.000000e+00> : vector<128xf32>
    %reduce_sum3A_47 = vector.multi_reduction <add>, %max3A_46, %reduce_sum3A [0] : vector<10000x128xf32> to vector<128xf32>
    %broadcast_in_dim3A = vector.shape_cast %reduce_sum3A_47 : vector<128xf32> to vector<1x128xf32>
    %div3A = arith.constant 1.000000e+04 : f32
    %div3A_48 = vector.broadcast %div3A : f32 to vector<1x128xf32>
    %div3A_49 = arith.divf %broadcast_in_dim3A, %div3A_48 : vector<1x128xf32>
    %sub3A = vector.broadcast %div3A_49 : vector<1x128xf32> to vector<10000x128xf32>
    %sub3A_50 = arith.subf %max3A_46, %sub3A : vector<10000x128xf32>
    %integer_pow3A = arith.mulf %sub3A_50, %sub3A_50 : vector<10000x128xf32>
    %reduce_sum3A_51 = arith.constant dense<0.000000e+00> : vector<128xf32>
    %reduce_sum3A_52 = vector.multi_reduction <add>, %integer_pow3A, %reduce_sum3A_51 [0] : vector<10000x128xf32> to vector<128xf32>
    %broadcast_in_dim3A_53 = vector.shape_cast %reduce_sum3A_52 : vector<128xf32> to vector<1x128xf32>
    %div3A_54 = arith.constant 1.000000e+04 : f32
    %div3A_55 = vector.broadcast %div3A_54 : f32 to vector<1x128xf32>
    %div3A_56 = arith.divf %broadcast_in_dim3A_53, %div3A_55 : vector<1x128xf32>
    %sub3A_57 = vector.broadcast %div3A_49 : vector<1x128xf32> to vector<10000x128xf32>
    %sub3A_58 = arith.subf %max3A_46, %sub3A_57 : vector<10000x128xf32>
    %add3A_59 = arith.constant 9.99999974E-6 : f32
    %add3A_60 = vector.broadcast %add3A_59 : f32 to vector<1x128xf32>
    %add3A_61 = arith.addf %div3A_56, %add3A_60 : vector<1x128xf32>
    %rsqrt3A = math.rsqrt %add3A_61 : vector<1x128xf32>
    %mul3A_62 = vector.broadcast %rsqrt3A : vector<1x128xf32> to vector<10000x128xf32>
    %mul3A_63 = arith.mulf %sub3A_58, %mul3A_62 : vector<10000x128xf32>
    %get3A_64 = arith.constant 0 : index
    %get3A_65 = arith.constant 0 : index
    %get3A_66 = vector.load %arg7[%get3A_64, %get3A_65] : memref<1x128xf32, #tpu.memory_space<vmem>>, vector<1x128xf32>
    %mul3A_67 = vector.broadcast %get3A_66 : vector<1x128xf32> to vector<10000x128xf32>
    %mul3A_68 = arith.mulf %mul3A_63, %mul3A_67 : vector<10000x128xf32>
    %get3A_69 = arith.constant 0 : index
    %get3A_70 = arith.constant 0 : index
    %get3A_71 = vector.load %arg8[%get3A_69, %get3A_70] : memref<1x128xf32, #tpu.memory_space<vmem>>, vector<1x128xf32>
    %add3A_72 = vector.broadcast %get3A_71 : vector<1x128xf32> to vector<10000x128xf32>
    %add3A_73 = arith.addf %mul3A_68, %add3A_72 : vector<10000x128xf32>
    %swap3A = arith.constant 0 : index
    %swap3A_74 = arith.constant 0 : index
    %swap3A_75 = vector.load %arg9[%swap3A, %swap3A_74] : memref<10000x128xf32, #tpu.memory_space<vmem>>, vector<10000x128xf32>
    tpu.vector_store %arg9[%swap3A, %swap3A_74], %add3A_73 {strides = array<i32>} : memref<10000x128xf32, #tpu.memory_space<vmem>>, vector<10000x128xf32>,
    return
  }
}

module attributes {stable_mosaic.version = 14 : i64} {
  func.func @_final_body(%arg0: memref<10000x128xf32, #tpu.memory_space<vmem>>, %arg1: memref<2x10000x128xf32, #tpu.memory_space<vmem>>, %arg2: memref<1x1xf32, #tpu.memory_space<vmem>>, %arg3: memref<128x256xf32, #tpu.memory_space<vmem>>, %arg4: memref<1x256xf32, #tpu.memory_space<vmem>>, %arg5: memref<256x128xf32, #tpu.memory_space<vmem>>, %arg6: memref<1x128xf32, #tpu.memory_space<vmem>>, %arg7: memref<1x128xf32, #tpu.memory_space<vmem>>, %arg8: memref<1x128xf32, #tpu.memory_space<vmem>>, %arg9: memref<1x10000xi32, #tpu.memory_space<vmem>>, %arg10: memref<128x256xf32, #tpu.memory_space<vmem>>, %arg11: memref<1x256xf32, #tpu.memory_space<vmem>>, %arg12: memref<256x128xf32, #tpu.memory_space<vmem>>, %arg13: memref<1x128xf32, #tpu.memory_space<vmem>>, %arg14: memref<64x128xf32, #tpu.memory_space<vmem>>) attributes {dimension_semantics = [], scalar_prefetch = 0 : i64, scratch_operands = 0 : i64, tpu.core_type = #tpu.core_type<tc>} {
    %get3A = arith.constant 0 : index
    %get3A_0 = arith.constant 0 : index
    %get3A_1 = vector.load %arg0[%get3A, %get3A_0] : memref<10000x128xf32, #tpu.memory_space<vmem>>, vector<10000x128xf32>
    %get3A_2 = arith.constant 0 : index
    %get3A_3 = arith.constant 0 : index
    %get3A_4 = vector.load %arg2[%get3A_2, %get3A_3] : memref<1x1xf32, #tpu.memory_space<vmem>>, vector<1x1xf32>
    %get3A_5 = vector.extract %get3A_4[0, 0] : f32 from vector<1x1xf32>
    %add3A = arith.constant 1.000000e+00 : f32
    %add3A_6 = arith.addf %add3A, %get3A_5 : f32
    %mul3A = vector.broadcast %add3A_6 : f32 to vector<10000x128xf32>
    %mul3A_7 = arith.mulf %get3A_1, %mul3A : vector<10000x128xf32>
    %get3A_8 = arith.constant 0 : index
    %get3A_9 = arith.constant 0 : index
    %get3A_10 = arith.constant 0 : index
    %get3A_11 = vector.load %arg1[%get3A_8, %get3A_9, %get3A_10] : memref<2x10000x128xf32, #tpu.memory_space<vmem>>, vector<1x10000x128xf32>
    %get3A_12 = vector.shape_cast %get3A_11 : vector<1x10000x128xf32> to vector<10000x128xf32>
    %add3A_13 = arith.addf %mul3A_7, %get3A_12 : vector<10000x128xf32>
    %get3A_14 = arith.constant 1 : index
    %get3A_15 = arith.constant 0 : index
    %get3A_16 = arith.constant 0 : index
    %get3A_17 = vector.load %arg1[%get3A_14, %get3A_15, %get3A_16] : memref<2x10000x128xf32, #tpu.memory_space<vmem>>, vector<1x10000x128xf32>
    %get3A_18 = vector.shape_cast %get3A_17 : vector<1x10000x128xf32> to vector<10000x128xf32>
    %add3A_19 = arith.addf %add3A_13, %get3A_18 : vector<10000x128xf32>
    %get3A_20 = arith.constant 0 : index
    %get3A_21 = arith.constant 0 : index
    %get3A_22 = vector.load %arg3[%get3A_20, %get3A_21] : memref<128x256xf32, #tpu.memory_space<vmem>>, vector<128x256xf32>
    %convert_element_type3A = arith.truncf %add3A_19 : vector<10000x128xf32> to vector<10000x128xbf16>
    %convert_element_type3A_23 = arith.truncf %get3A_22 : vector<128x256xf32> to vector<128x256xbf16>
    %dot_general3A = arith.constant dense<0.000000e+00> : vector<10000x256xf32>
    %dot_general3A_24 = tpu.matmul %convert_element_type3A, %convert_element_type3A_23, %dot_general3A {dimension_numbers = #tpu.dot_dimension_numbers<[1], [0], [0], [1], [0, 0, 1, 1], [], []>, transpose_lhs_hint = false} : vector<10000x128xbf16>, vector<128x256xbf16>, vector<10000x256xf32> -> vector<10000x256xf32>
    %get3A_25 = arith.constant 0 : index
    %get3A_26 = arith.constant 0 : index
    %get3A_27 = vector.load %arg4[%get3A_25, %get3A_26] : memref<1x256xf32, #tpu.memory_space<vmem>>, vector<1x256xf32>
    %add3A_28 = vector.broadcast %get3A_27 : vector<1x256xf32> to vector<10000x256xf32>
    %add3A_29 = arith.addf %dot_general3A_24, %add3A_28 : vector<10000x256xf32>
    %max3A = arith.constant 0.000000e+00 : f32
    %max3A_30 = vector.broadcast %max3A : f32 to vector<10000x256xf32>
    %max3A_31 = arith.maximumf %add3A_29, %max3A_30 : vector<10000x256xf32>
    %get3A_32 = arith.constant 0 : index
    %get3A_33 = arith.constant 0 : index
    %get3A_34 = vector.load %arg5[%get3A_32, %get3A_33] : memref<256x128xf32, #tpu.memory_space<vmem>>, vector<256x128xf32>
    %convert_element_type3A_35 = arith.truncf %max3A_31 : vector<10000x256xf32> to vector<10000x256xbf16>
    %convert_element_type3A_36 = arith.truncf %get3A_34 : vector<256x128xf32> to vector<256x128xbf16>
    %dot_general3A_37 = arith.constant dense<0.000000e+00> : vector<10000x128xf32>
    %dot_general3A_38 = tpu.matmul %convert_element_type3A_35, %convert_element_type3A_36, %dot_general3A_37 {dimension_numbers = #tpu.dot_dimension_numbers<[1], [0], [0], [1], [0, 0, 1, 1], [], []>, transpose_lhs_hint = false} : vector<10000x256xbf16>, vector<256x128xbf16>, vector<10000x128xf32> -> vector<10000x128xf32>
    %get3A_39 = arith.constant 0 : index
    %get3A_40 = arith.constant 0 : index
    %get3A_41 = vector.load %arg6[%get3A_39, %get3A_40] : memref<1x128xf32, #tpu.memory_space<vmem>>, vector<1x128xf32>
    %add3A_42 = vector.broadcast %get3A_41 : vector<1x128xf32> to vector<10000x128xf32>
    %add3A_43 = arith.addf %dot_general3A_38, %add3A_42 : vector<10000x128xf32>
    %max3A_44 = arith.constant 0.000000e+00 : f32
    %max3A_45 = vector.broadcast %max3A_44 : f32 to vector<10000x128xf32>
    %max3A_46 = arith.maximumf %add3A_43, %max3A_45 : vector<10000x128xf32>
    %reduce_sum3A = arith.constant dense<0.000000e+00> : vector<128xf32>
    %reduce_sum3A_47 = vector.multi_reduction <add>, %max3A_46, %reduce_sum3A [0] : vector<10000x128xf32> to vector<128xf32>
    %broadcast_in_dim3A = vector.shape_cast %reduce_sum3A_47 : vector<128xf32> to vector<1x128xf32>
    %div3A = arith.constant 1.000000e+04 : f32
    %div3A_48 = vector.broadcast %div3A : f32 to vector<1x128xf32>
    %div3A_49 = arith.divf %broadcast_in_dim3A, %div3A_48 : vector<1x128xf32>
    %sub3A = vector.broadcast %div3A_49 : vector<1x128xf32> to vector<10000x128xf32>
    %sub3A_50 = arith.subf %max3A_46, %sub3A : vector<10000x128xf32>
    %integer_pow3A = arith.mulf %sub3A_50, %sub3A_50 : vector<10000x128xf32>
    %reduce_sum3A_51 = arith.constant dense<0.000000e+00> : vector<128xf32>
    %reduce_sum3A_52 = vector.multi_reduction <add>, %integer_pow3A, %reduce_sum3A_51 [0] : vector<10000x128xf32> to vector<128xf32>
    %broadcast_in_dim3A_53 = vector.shape_cast %reduce_sum3A_52 : vector<128xf32> to vector<1x128xf32>
    %div3A_54 = arith.constant 1.000000e+04 : f32
    %div3A_55 = vector.broadcast %div3A_54 : f32 to vector<1x128xf32>
    %div3A_56 = arith.divf %broadcast_in_dim3A_53, %div3A_55 : vector<1x128xf32>
    %sub3A_57 = vector.broadcast %div3A_49 : vector<1x128xf32> to vector<10000x128xf32>
    %sub3A_58 = arith.subf %max3A_46, %sub3A_57 : vector<10000x128xf32>
    %add3A_59 = arith.constant 9.99999974E-6 : f32
    %add3A_60 = vector.broadcast %add3A_59 : f32 to vector<1x128xf32>
    %add3A_61 = arith.addf %div3A_56, %add3A_60 : vector<1x128xf32>
    %rsqrt3A = math.rsqrt %add3A_61 : vector<1x128xf32>
    %mul3A_62 = vector.broadcast %rsqrt3A : vector<1x128xf32> to vector<10000x128xf32>
    %mul3A_63 = arith.mulf %sub3A_58, %mul3A_62 : vector<10000x128xf32>
    %get3A_64 = arith.constant 0 : index
    %get3A_65 = arith.constant 0 : index
    %get3A_66 = vector.load %arg7[%get3A_64, %get3A_65] : memref<1x128xf32, #tpu.memory_space<vmem>>, vector<1x128xf32>
    %mul3A_67 = vector.broadcast %get3A_66 : vector<1x128xf32> to vector<10000x128xf32>
    %mul3A_68 = arith.mulf %mul3A_63, %mul3A_67 : vector<10000x128xf32>
    %get3A_69 = arith.constant 0 : index
    %get3A_70 = arith.constant 0 : index
    %get3A_71 = vector.load %arg8[%get3A_69, %get3A_70] : memref<1x128xf32, #tpu.memory_space<vmem>>, vector<1x128xf32>
    %add3A_72 = vector.broadcast %get3A_71 : vector<1x128xf32> to vector<10000x128xf32>
    %add3A_73 = arith.addf %mul3A_68, %add3A_72 : vector<10000x128xf32>
    %iota3A = tpu.iota {dimensions = array<i32: 0>} : vector<64x10000xi32>
    %get3A_74 = arith.constant 0 : index
    %get3A_75 = arith.constant 0 : index
    %get3A_76 = vector.load %arg9[%get3A_74, %get3A_75] : memref<1x10000xi32, #tpu.memory_space<vmem>>, vector<1x10000xi32>
    %eq3A = vector.broadcast %get3A_76 : vector<1x10000xi32> to vector<64x10000xi32>
    %eq3A_77 = arith.cmpi eq, %eq3A, %iota3A : vector<64x10000xi32>
    %convert_element_type3A_78 = arith.extui %eq3A_77 : vector<64x10000xi1> to vector<64x10000xi32>
    %convert_element_type3A_79 = arith.sitofp %convert_element_type3A_78 : vector<64x10000xi32> to vector<64x10000xf32>
    %dot_general3A_80 = arith.constant dense<0.000000e+00> : vector<64x128xf32>
    %dot_general3A_81 = tpu.matmul %convert_element_type3A_79, %add3A_73, %dot_general3A_80 {dimension_numbers = #tpu.dot_dimension_numbers<[1], [0], [0], [1], [0, 0, 1, 1], [], []>, precision = #tpu.contract_precision<fp32>, transpose_lhs_hint = false} : vector<64x10000xf32>, vector<10000x128xf32>, vector<64x128xf32> -> vector<64x128xf32>
    %reduce_sum3A_82 = arith.constant dense<0.000000e+00> : vector<64xf32>
    %reduce_sum3A_83 = vector.multi_reduction <add>, %convert_element_type3A_79, %reduce_sum3A_82 [1] : vector<64x10000xf32> to vector<64xf32>
    %broadcast_in_dim3A_84 = vector.shape_cast %reduce_sum3A_83 : vector<64xf32> to vector<64x1xf32>
    %max3A_85 = arith.constant 1.000000e+00 : f32
    %max3A_86 = vector.broadcast %max3A_85 : f32 to vector<64x1xf32>
    %max3A_87 = arith.maximumf %broadcast_in_dim3A_84, %max3A_86 : vector<64x1xf32>
    %div3A_88 = vector.broadcast %max3A_87 : vector<64x1xf32> to vector<64x128xf32>
    %div3A_89 = arith.divf %dot_general3A_81, %div3A_88 : vector<64x128xf32>
    %get3A_90 = arith.constant 0 : index
    %get3A_91 = arith.constant 0 : index
    %get3A_92 = vector.load %arg10[%get3A_90, %get3A_91] : memref<128x256xf32, #tpu.memory_space<vmem>>, vector<128x256xf32>
    %convert_element_type3A_93 = arith.truncf %div3A_89 : vector<64x128xf32> to vector<64x128xbf16>
    %convert_element_type3A_94 = arith.truncf %get3A_92 : vector<128x256xf32> to vector<128x256xbf16>
    %dot_general3A_95 = arith.constant dense<0.000000e+00> : vector<64x256xf32>
    %dot_general3A_96 = tpu.matmul %convert_element_type3A_93, %convert_element_type3A_94, %dot_general3A_95 {dimension_numbers = #tpu.dot_dimension_numbers<[1], [0], [0], [1], [0, 0, 1, 1], [], []>, transpose_lhs_hint = false} : vector<64x128xbf16>, vector<128x256xbf16>, vector<64x256xf32> -> vector<64x256xf32>
    %get3A_97 = arith.constant 0 : index
    %get3A_98 = arith.constant 0 : index
    %get3A_99 = vector.load %arg11[%get3A_97, %get3A_98] : memref<1x256xf32, #tpu.memory_space<vmem>>, vector<1x256xf32>
    %add3A_100 = vector.broadcast %get3A_99 : vector<1x256xf32> to vector<64x256xf32>
    %add3A_101 = arith.addf %dot_general3A_96, %add3A_100 : vector<64x256xf32>
    %max3A_102 = arith.constant 0.000000e+00 : f32
    %max3A_103 = vector.broadcast %max3A_102 : f32 to vector<64x256xf32>
    %max3A_104 = arith.maximumf %add3A_101, %max3A_103 : vector<64x256xf32>
    %get3A_105 = arith.constant 0 : index
    %get3A_106 = arith.constant 0 : index
    %get3A_107 = vector.load %arg12[%get3A_105, %get3A_106] : memref<256x128xf32, #tpu.memory_space<vmem>>, vector<256x128xf32>
    %convert_element_type3A_108 = arith.truncf %max3A_104 : vector<64x256xf32> to vector<64x256xbf16>
    %convert_element_type3A_109 = arith.truncf %get3A_107 : vector<256x128xf32> to vector<256x128xbf16>
    %dot_general3A_110 = arith.constant dense<0.000000e+00> : vector<64x128xf32>
    %dot_general3A_111 = tpu.matmul %convert_element_type3A_108, %convert_element_type3A_109, %dot_general3A_110 {dimension_numbers = #tpu.dot_dimension_numbers<[1], [0], [0], [1], [0, 0, 1, 1], [], []>, transpose_lhs_hint = false} : vector<64x256xbf16>, vector<256x128xbf16>, vector<64x128xf32> -> vector<64x128xf32>
    %get3A_112 = arith.constant 0 : index
    %get3A_113 = arith.constant 0 : index
    %get3A_114 = vector.load %arg13[%get3A_112, %get3A_113] : memref<1x128xf32, #tpu.memory_space<vmem>>, vector<1x128xf32>
    %add3A_115 = vector.broadcast %get3A_114 : vector<1x128xf32> to vector<64x128xf32>
    %add3A_116 = arith.addf %dot_general3A_111, %add3A_115 : vector<64x128xf32>
    %swap3A = arith.constant 0 : index
    %swap3A_117 = arith.constant 0 : index
    %swap3A_118 = vector.load %arg14[%swap3A, %swap3A_117] : memref<64x128xf32, #tpu.memory_space<vmem>>, vector<64x128xf32>
    tpu.vector_store %arg14[%swap3A, %swap3A_117], %add3A_116 {strides = array<i32>} : memref<64x128xf32, #tpu.memory_space<vmem>>, vector<64x128xf32>,
    return
  }
}

</mosaic_0001>

<sc_bundles>
// kernel: kernel.6.cloned.1.call-start
scs
__scs_entry_jumppad:
0x0: {  	(pc) =	sbr.rel $0x88, $3  }
0x1: {  	(tag) =	ssettag $0x0;
	lr =	simm.s32 $0x1  }
0x2: {  	[smem:$0x3F8E] =	sst lr;
	_ =	strace $0xD0000000  }
0x3: {  	_ = 	snop  }
0x4: {  	_ = 	snop  }
0x5: {  	_ = 	snop  }
0x6: {  	_ = 	snop  }
0x7: {  	_ = 	snop  }
__scs_overlays_trampoline_lowered:
0x8: {  	[smem:$0x3F9D] =	sst s0  }
0x9: {  	[smem:$0x3F9E] =	sst s1  }
0xa: {  	[smem:$0x3F9F] =	sst s2  }
0xb: {  	[smem:$0x3FA0] =	sst s3  }
0xc: {  	[smem:$0x3FA1] =	sst s4  }
0xd: {  	[smem:$0x3FA2] =	sst s5  }
0xe: {  	[smem:$0x3FA3] =	sst s6  }
0xf: {  	[smem:$0x3FA4] =	sst s7  }
0x10: {  	[smem:$0x3FA5] =	sst s8  }
0x11: {  	[smem:$0x3FA6] =	sst s9;
	s0 =	simm.s32 @!p0 $0x0  }
0x12: {  	s1 =	sld [smem:$0x3F8C];
	s0 =	simm.s32 @p0 $0x1  }
0x13: {  	[smem:$0x3FA7] =	sst s0;
	s0 =	simm.s32 @!p1 $0x0  }
0x14: {  	s2 =	sld [smem:$0x3F8B];
	s0 =	simm.s32 @p1 $0x1  }
0x15: {  	[smem:$0x3FA8] =	sst s0;
	s0 =	simm.s32 @!p2 $0x0  }
0x16: {  	s3 =	sld [smem:$0x3FDB];
	s0 =	simm.s32 @p2 $0x1  }
0x17: {  	s4 =	simm.s32 $0x1BF5;
	[smem:$0x3FAA] =	sst s0  }
0x18: {  	s0 =	sld [smem:$0x3F8D];
	_ =	swait.ge [sflag:s4], $0x0  }
0x19: {  	s7 =	sld [smem:$0x3F8E]  }
0x1a: {  	s8 =	sadd.s32 $0xFFFFE003, lr  }
0x1b: {  	s9 =	sadd.s32 $0xFFFFFEF7, lr;
	s5 =	simm.s32 $0xFFFFFFFF;
	p2 =	slt.u32 s8, $0xFFFFF086  }
0x1c: {  	p1 =	slt.u32 s9, $0xF7A;
	s5 =	simm.s32 @!p2 $0x0  }
0x1d: {  	s5 =	simm.s32 @p1 $0x1;
	p0 =	seq.s32 s7, s2  }
0x1e: {  	s7 =	smul.u32 @!p0 $0xF7A, s2;
	p2 =	seq.s32 @!p0 s5, $0x0  }
0x1f: {  	s9 =	smul.u32 $0xF7A, s1;
	s8 =	simm.s32 @!p0 $0x1BF5;
	p2 =	por !p2, p0  }
0x20: {  	[sflag:s8] =	ssyncset.s32 @!p0 $0xFFFFF086;
	s6 =	sadd.s32 @!p0 s3, s7;
	s7 =	simm.s32 @!p0 $0x108  }
0x21: {  	s3 =	sadd.s32 s3, s9;
	s6 =	sadd.s32 @!p0 $0x88, s6;
	s7 =	simm.s32 @p2 $0x1082  }
0x22: {  	[simem:s7], [sflag:s8] =	dma.local @!p0 [hbm:s6], $0xF7A  }
0x23: {  	s9 =	sor.u32 $0xD0000000, s2;
	s6 =	simm.s32 $0x108;
	_ =	swait.ge @!p0 [sflag:s8], $0x0  }
0x24: {  	s3 =	sadd.s32 $0x88, s3;
	s6 =	simm.s32 @!p1 $0x1082;
	[sflag:s4] =	ssyncset.s32 $0xFFFFF086  }
0x25: {  	[simem:s6], [sflag:s4] =	dma.local [hbm:s3], $0xF7A  }
0x26: {  	[smem:$0x3F8E] =	sst s1;
	(tag) =	ssettag s2;
	_ =	strace s9  }
0x27: {  	s1 =	sld [smem:$0x3F9E]  }
0x28: {  	s2 =	sld [smem:$0x3F9F]  }
0x29: {  	s4 =	sld [smem:$0x3FA1]  }
0x2a: {  	p0 =	seq.s32 s5, $0x0;
	s5 =	sld [smem:$0x3FA2]  }
0x2b: {  	s6 =	sld [smem:$0x3FA3]  }
0x2c: {  	s7 =	sld [smem:$0x3FA4]  }
0x2d: {  	s3 =	simm.s32 $0x108;
	s8 =	sld [smem:$0x3FA5]  }
0x2e: {  	s3 =	simm.s32 @!p0 $0x1082;
	s9 =	sld [smem:$0x3FA6]  }
0x2f: {  	lr =	sadd.s32 s0, s3;
	s0 =	sld [smem:$0x3F9D]  }
0x30: {  	s3 =	sld [smem:$0x3FA0]  }
0x31: {  	[smem:$0x3FA9] =	sst s10  }
0x32: {  	s10 =	sld [smem:$0x3FA7];
	_ =	sdelay $0x3  }
0x33: {  	p0 =	seq.s32 s10, $0x1;
	s10 =	sld [smem:$0x3FA9];
	_ =	sdelay $0x3  }
0x34: {  	[smem:$0x3FA9] =	sst s10  }
0x35: {  	s10 =	sld [smem:$0x3FA8];
	_ =	sdelay $0x3  }
0x36: {  	p1 =	seq.s32 s10, $0x1;
	s10 =	sld [smem:$0x3FA9];
	_ =	sdelay $0x3  }
0x37: {  	[smem:$0x3FA9] =	sst s10  }
0x38: {  	s10 =	sld [smem:$0x3FAA]  }
0x39: {  	_ = 	snop;
	(pc) =	sbr.ind lr, $3  }
0x3a: {  	_ = 	snop  }
0x3b: {  	_ = 	snop  }
0x3c: {  	p2 =	seq.s32 s10, $0x1;
	s10 =	sld [smem:$0x3FA9]  }
0x3d: {  	_ =	shalt  }
0x3e: {  	_ =	shalt  }
0x3f: {  	_ =	shalt  }
0x40: {  	_ =	shalt  }
0x41: {  	_ =	shalt  }
0x42: {  	_ =	shalt  }
0x43: {  	_ =	shalt  }
0x44: {  	_ =	shalt  }
0x45: {  	_ =	shalt  }
0x46: {  	_ =	shalt  }
0x47: {  	_ =	shalt  }
0x48: {  	_ =	shalt  }
0x49: {  	_ =	shalt  }
0x4a: {  	_ =	shalt  }
0x4b: {  	_ =	shalt  }
0x4c: {  	_ =	shalt  }
0x4d: {  	_ =	shalt  }
0x4e: {  	_ =	shalt  }
0x4f: {  	_ =	shalt  }
0x50: {  	_ =	shalt  }
0x51: {  	_ =	shalt  }
0x52: {  	_ =	shalt  }
0x53: {  	_ =	shalt  }
0x54: {  	_ =	shalt  }
0x55: {  	_ =	shalt  }
0x56: {  	_ =	shalt  }
0x57: {  	_ =	shalt  }
0x58: {  	_ =	shalt  }
0x59: {  	_ =	shalt  }
0x5a: {  	_ =	shalt  }
0x5b: {  	_ =	shalt  }
0x5c: {  	_ =	shalt  }
0x5d: {  	_ =	shalt  }
0x5e: {  	_ =	shalt  }
0x5f: {  	_ =	shalt  }
0x60: {  	_ =	shalt  }
0x61: {  	_ =	shalt  }
0x62: {  	_ =	shalt  }
0x63: {  	_ =	shalt  }
0x64: {  	_ =	shalt  }
0x65: {  	_ =	shalt  }
0x66: {  	_ =	shalt  }
0x67: {  	_ =	shalt  }
0x68: {  	_ =	shalt  }
0x69: {  	_ =	shalt  }
0x6a: {  	_ =	shalt  }
0x6b: {  	_ =	shalt  }
0x6c: {  	_ =	shalt  }
0x6d: {  	_ =	shalt  }
0x6e: {  	_ =	shalt  }
0x6f: {  	_ =	shalt  }
0x70: {  	_ =	shalt  }
0x71: {  	_ =	shalt  }
0x72: {  	_ =	shalt  }
0x73: {  	_ =	shalt  }
0x74: {  	_ =	shalt  }
0x75: {  	_ =	shalt  }
0x76: {  	_ =	shalt  }
0x77: {  	_ =	shalt  }
0x78: {  	_ =	shalt  }
0x79: {  	_ =	shalt  }
0x7a: {  	_ =	shalt  }
0x7b: {  	_ =	shalt  }
0x7c: {  	_ =	shalt  }
0x7d: {  	_ =	shalt  }
0x7e: {  	_ =	shalt  }
0x7f: {  	_ =	shalt  }
0x80: {  	_ =	shalt  }
0x81: {  	_ =	shalt  }
0x82: {  	_ =	shalt  }
0x83: {  	_ =	shalt  }
0x84: {  	_ =	shalt  }
0x85: {  	_ =	shalt  }
0x86: {  	_ =	shalt  }
0x87: {  	_ =	shalt  }
.Lfunc_end0:
.L_simem_size_0:
called_computation_lowered:
.L_overlay_start_0:
0x88: {  	s2 =	sld [smem:$0x3FD9]  }
0x89: {  	s3 =	sld [smem:$0x3FFE];
	_ =	sdelay $0x1  }
0x8a: {  	s1 =	srdreg.scid  }
0x8b: {  	s0 =	sand.u32 $0x1, s1  }
0x8c: {  	s17 =	sshll.u32 s0, $0xA;
	s2 =	sadd.s32 s3, s2  }
0x8d: {  	s2 =	sadd.s32 s2, s17  }
0x8e: {  	[smem:$0x3FB5] =	sst s2  }
0x8f: {  	_ = 	snop  }
0x90: {  	s2 =	sld [smem:$0x3FC9];
	(tm) =	ssettm $0x1  }
0x91: {  	s18 =	sld [smem:$0x3FFB];
	_ =	sdelay $0x3  }
0x92: {  	_ =	strace s18  }
0x93: {  	s3 =	sld [smem:$0x3FFC];
	_ =	sdelay $0x3  }
0x94: {  	_ =	strace s3  }
0x95: {  	s3 =	sld [smem:$0x3FFD];
	_ =	sdelay $0x3  }
0x96: {  	_ =	strace s3  }
0x97: {  	_ =	strace $0x8FFFFFFF  }
0x98: {  	s19 =	sld [smem:$0x3FDB];
	_ =	sdelay $0x1  }
0x99: {  	s4 =	simm.s32 $_scs_section_size  }
0x9a: {  	s5 =	simm.s32 $_size__tile_overlayer_lowered;
	s6 =	simm.s32 $_tile_overlayer_lowered  }
0x9b: {  	s22 =	simm.s32 $0x1BFF;
	s21 =	sshll.u32 s6, $0x1;
	s3 =	sadd.s32 s4, s19  }
0x9c: {  	s7 =	simm.s32 $0x0;
	s20 =	sshll.u32 s5, $0x1;
	s5 =	sadd.s32 s21, s3  }
0x9d: {  	[timem:s7], [sflag:s22] =	dma.local [hbm:s5], s20  }
0x9e: {  	_ =	swait.ge [sflag:s22], s20  }
0x9f: {  	s4 =	ssub.s32 $0x0, s20;
	[sflag:s22] =	ssyncset.done $0x0  }
0xa0: {  	[sflag:s22] =	ssyncadd.s32 s4;
	_ =	sdelay $0x1  }
0xa1: {  	s23 =	simm.s32 $0x1B8B  }
0xa2: {  	_ =	swait.ge [sflag:s23], $0x1  }
0xa3: {  	[sflag:s23] =	ssyncset.done $0x0  }
0xa4: {  	s25 =	simm.s32 $0x1B8E;
	s24 =	sld [smem:$0x3FFE];
	[sflag:s23] =	ssyncadd.s32 $0xFFFFFFFF  }
0xa5: {  	s26 =	simm.s32 $execute0_lowered;
	[smem:$0x3FD2] =	sst s25  }
0xa6: {  	s5 =	sshll.u32 s26, $0x1;
	_ =	strace $0x80000046;
	[dreg:$0x1] =	wrdreg $0xFFFFFFFF  }
0xa7: {  	s28 =	simm.s32 $_size_execute0_lowered;
	s3 =	sadd.s32 s3, s5;
	[dreg:$0x0] =	wrdreg $0x0  }
0xa8: {  	s5 =	sshll.u32 s28, $0x1;
	[dreg:$0x2] =	wrdreg s3  }
0xa9: {  	[dreg:$0x3] =	wrdreg s5  }
0xaa: {  	[dreg:$0x4] =	wrdreg $0xC0  }
0xab: {  	_ =	task [dreg:s7], $0x5FFFF  }
0xac: {  	[dreg:$0x1] =	wrdreg $0xFFFFFFFF  }
0xad: {  	[dreg:$0x0] =	wrdreg $0x60  }
0xae: {  	[dreg:$0x2] =	wrdreg s2  }
0xaf: {  	[dreg:$0x3] =	wrdreg s24  }
0xb0: {  	[dreg:$0x4] =	wrdreg $0xA9000  }
0xb1: {  	[dreg:$0x5] =	wrdreg $0x9  }
0xb2: {  	_ =	task.clear_ibuf [dreg:s7], $0x6FFFF;
	_ =	strace $0x90000046  }
0xb3: {  	s29 =	simm.s32 $0x9;
	_ =	strace $0x80000048  }
0xb4: {  	_ =	swait.ge [sflag:s29], $0x1  }
0xb5: {  	[sflag:s29] =	ssyncadd.s32 $0xFFFFFFFF  }
0xb6: {  	_ =	strace $0x90000048  }
0xb7: {  	_ =	sfence  }
0xb8: {  	s30 =	sld [smem:$0x0];
	_ =	sdelay $0x2  }
0xb9: {  	s31 =	sshll.u32 s1, $0xD;
	s1 =	sshrl.u32 s1, $0x2  }
0xba: {  	s3 =	sand.u32 $0x4000, s31;
	s1 =	sadd.s32 s1, s30  }
0xbb: {  	s0 =	sor.u32 s3, s0;
	s1 =	sshll.u32 s1, $0x11  }
0xbc: {  	s0 =	sor.u32 s1, s0  }
0xbd: {  	s0 =	sadd.s32 $0x8F2B, s0  }
0xbe: {  	[sflag:s0] =	ssyncadd.remote.s32 $0x1  }
0xbf: {  	_ =	sfence.sel $0xFFFF  }
0xc0: {  	[dreg:$0x0] =	wrdreg $0xFFFFFFFF;
	(pc) =	sbr.abs _section_cstart, $3  }
0xc1: {  	[dreg:$0x1] =	wrdreg $0xFFFFFFFF  }
0xc2: {  	_ =	task.clear_ibuf [dreg:s7], $0x2FFFF;
	_ =	strace $0x9FFFFFFF  }
0xc3: {  	(tm) =	ssettm $0x7FFFFFFF  }
tec
execute0_lowered:
.L_overlay_start_1:
0x0: {  	(tag) =	ssettag $0x1  }
0x1: {  	s1 =	rddreg [dreg:$0x0]  }
0x2: {  	s0 =	rddreg [dreg:$0x1]  }
0x3: {  	s2 =	rddreg [dreg:$0x2]  }
0x4: {  	s3 =	srdreg.scid;
	s4 =	simm.s32 $0x0;
	s19 =	stileid.u32  }
0x5: {  	s16 =	simm.s32 $0xA800;
	s17 =	simm.s32 $0xA880;
	s28 =	simm.s32 $0x6800  }
0x6: {  	s29 =	simm.s32 $0x2780;
	s30 =	simm.s32 $0x3;
	s31 =	simm.s32 $0x5  }
0x7: {  	s3 =	sand.u32 $0x1, s3;
	[smem:$0x7FF] =	sst s4;
	s9 =	smul.u32 $0x4E000, s19  }
0x8: {  	s7 =	sadd.s32 $0x3600, s0;
	s22 =	smul.u32 $0x13800, s19;
	s18 =	sadd.s32 $0x124800, s2  }
0x9: {  	s23 =	smul.u32 $0x2710, s19;
	p0 =	seq.s32 s19, $0xF;
	s5 =	sshll.u32 s3, $0x4  }
0xa: {  	_ =	strace $0x80000047;
	s8 =	ssub.s32 $0x2, s3;
	s11 =	smul.u32 $0x138800, s3  }
0xb: {  	s3 =	smul.u32 $0x27100, s3;
	s18 =	sshrl.u32 @p0 s18, $0x3;
	s5 =	sor.u32 s19, s5  }
0xc: {  	s10 =	sshrl.u32 s8, $0x1;
	s9 =	sshrl.u32 s9, $0x2;
	s6 =	smul.u32 $0x2710, s5  }
0xd: {  	s5 =	sadd.s32 $0x17000, s0;
	s0 =	sadd.s32 $0x19800, s0;
	s8 =	ssub.s32 s8, s10  }
0xe: {  	s20 =	sadd.s32 s9, s2;
	s10 =	sadd.s32 s22, s11;
	s11 =	sshrl.u32 s11, $0x3  }
0xf: {  	s3 =	sadd.s32 s23, s3;
	s22 =	simm.s32 $0x2;
	s23 =	simm.s32 $0x4  }
0x10: {  	s10 =	sshrl.u32 s10, $0x3;
	s11 =	sadd.s32 s0, s11;
	s25 =	sadd.s32 $0x4E280, s3  }
0x11: {  	s3 =	sadd.s32 $0x4E300, s3;
	s20 =	sshrl.u32 @!p0 s20, $0x3;
	s6 =	sshrl.u32 s6, $0x3  }
0x12: {  	s0 =	sadd.s32 s0, s10;
	s11 =	sadd.s32 $0x24900, s11;
	s26 =	sshrl.u32 s3, $0x3  }
0x13: {  	s3 =	simm.s32 $0x10;
	s6 =	sadd.s32 s7, s6;
	[dreg:$0x7] =	wrdreg s0  }
0x14: {  	s0 =	sshrl.u32 s25, $0x3;
	s15 =	sadd.s32 s26, s7;
	s25 =	simm.s32 $0x2700  }
0x15: {  	s26 =	simm.s32 $0x80;
	s21 =	sadd.s32 $0x4E0, s6;
	s12 =	sadd.s32 $0xA120, s6  }
0x16: {  	s24 =	sadd.s32 $0x9C40, s6;
	s13 =	sadd.s32 $0xA110, s6;
	[dreg:$0x4] =	wrdreg s21  }
0x17: {  	s14 =	sadd.s32 s0, s7;
	s0 =	sshll.u32 @!p0 s19, $0x6;
	[dreg:$0x5] =	wrdreg s12  }
0x18: {  	[dreg:$0x6] =	wrdreg s24;
	s12 =	smax.u32 s8, $0x1;
	s19 =	sor.u32 @!p0 $0x1C05, s0  }
0x19: {  	s21 =	simm.s32 $0x1;
	s24 =	simm.s32 $0x2800;
	s0 =	simm.s32 $0x0  }
.LBB2_1:
0x1a: {  	[tilespmem:s4], [sflag:$0x1] =	stream.linear.gather [hbm4b:s6+s4], $0x2700, $0x38;
	[tilespmem:$0x1E180] =	vst v63  }
0x1b: {  	s7 =	rddreg [dreg:$0x4]  }
0x1c: {  	[tilespmem:s16], [sflag:$0x2] =	stream.linear.gather [hbm4b:s7+s4], $0x10, $0x38;
	[tilespmem:$0x1E180] =	vst v63  }
0x1d: {  	s9 =	rddreg [dreg:$0x5];
	s7 =	simm.s32 @p0 $0x1FC5  }
0x1e: {  	[tilespmem:s17], [sflag:$0x4] =	stream.linear.gather [hbm4b:s9+s4], $0x10, $0x38;
	[tilespmem:$0x1E180] =	vst v63  }
0x1f: {  	[spmem:s18], [sflag:s7] =	dma.local @p0 [hbm:s5], $0x2800  }
0x20: {  	s7 =	simm.s32 @p0 $0x5  }
0x21: {  	_ =	swait.ge @p0 [sflag:s7], $0x2800  }
0x22: {  	[sflag:s7] =	ssyncset.done @p0 $0x0  }
0x23: {  	[sflag:s7] =	ssyncadd.s32 @p0 $0xFFFFD800;
	s7 =	simm.s32 @!p0 $0x5  }
0x24: {  	[spmem:s20], [sflag:s19] =	dma.local @!p0 [hbm:s5], $0x2700  }
0x25: {  	_ =	swait.ge @!p0 [sflag:s7], $0x2700  }
0x26: {  	[sflag:s7] =	ssyncset.done @!p0 $0x0  }
0x27: {  	[sflag:s7] =	ssyncadd.s32 @!p0 $0xFFFFD900  }
0x28: {  	_ =	swait.ge [sflag:s21], $0x2700  }
0x29: {  	[sflag:s21] =	ssyncset.done $0x0  }
0x2a: {  	[sflag:s21] =	ssyncadd.s32 $0xFFFFD900  }
0x2b: {  	_ =	swait.ge [sflag:s22], $0x10  }
0x2c: {  	[sflag:s22] =	ssyncset.done $0x0  }
0x2d: {  	[sflag:s22] =	ssyncadd.s32 $0xFFFFFFF0  }
0x2e: {  	_ =	swait.ge [sflag:s23], $0x10  }
0x2f: {  	[sflag:s23] =	ssyncset.done $0x0  }
0x30: {  	[sflag:s23] =	ssyncadd.s32 $0xFFFFFFF0  }
0x31: {  	[tilespmem:s24], [sflag:$0x1] =	stream.indirect.gather [hbm4b:s1+s26], $0x80, s4, s26, $0xb8;
	[tilespmem:$0x1E180] =	vst v63  }
0x32: {  	s10 =	rddreg [dreg:$0x6]  }
0x33: {  	[tilespmem:s25], [sflag:$0x3] =	stream.linear.gather [hbm4b:s10+s4], $0x80, $0x38;
	[tilespmem:$0x1E180] =	vst v63  }
0x34: {  	[bflag:$0x0] =	sbarrier.arrive $0xFFFF  }
0x35: {  	[tilespmem:s28], [sflag:$0x2] =	stream.indirect.gather [hbm4b:s1+s26], $0x80, s26, s26, $0xb8;
	[tilespmem:$0x1E180] =	vst v63  }
0x36: {  	s8 =	sadd.s32 $0x0, s14  }
0x37: {  	[tilespmem:s29], [sflag:$0x4] =	stream.linear.gather [hbm4b:s8+s4], $0x80, $0x38;
	[tilespmem:$0x1E180] =	vst v63  }
0x38: {  	_ =	swait.ge [sflag:s21], $0x4000  }
0x39: {  	[sflag:s21] =	ssyncset.done $0x0  }
0x3a: {  	[sflag:s21] =	ssyncadd.s32 $0xFFFFC000  }
0x3b: {  	_ =	swait.ge [sflag:s30], $0x80  }
0x3c: {  	[sflag:s30] =	ssyncset.done $0x0  }
0x3d: {  	[sflag:s30] =	ssyncadd.s32 $0xFFFFFF80  }
0x3e: {  	[spmem:s2] =	stream.indirect.scatter.add.f32 [tilespmem:s24], [sflag:$0x5], $0x80, s25, s26, $0xb8;
	[tilespmem:$0x1E180] =	vst v63  }
0x3f: {  	_ =	swait.ge [sflag:s31], $0x4000  }
0x40: {  	[sflag:s31] =	ssyncset.done $0x0  }
0x41: {  	s9 =	simm.s32 $0x100;
	[sflag:s31] =	ssyncadd.s32 $0xFFFFC000  }
0x42: {  	[tilespmem:s24], [sflag:$0x1] =	stream.indirect.gather [hbm4b:s1+s26], $0x80, s9, s26, $0xb8;
	[tilespmem:$0x1E180] =	vst v63  }
0x43: {  	s10 =	sadd.s32 $0x0, s15  }
0x44: {  	[tilespmem:s25], [sflag:$0x3] =	stream.linear.gather [hbm4b:s10+s4], $0x80, $0x38;
	[tilespmem:$0x1E180] =	vst v63  }
0x45: {  	_ =	swait.ge [sflag:s22], $0x4000  }
0x46: {  	[sflag:s22] =	ssyncset.done $0x0  }
0x47: {  	[sflag:s22] =	ssyncadd.s32 $0xFFFFC000  }
0x48: {  	_ =	swait.ge [sflag:s23], $0x80  }
0x49: {  	[sflag:s23] =	ssyncset.done $0x0  }
0x4a: {  	[sflag:s23] =	ssyncadd.s32 $0xFFFFFF80  }
0x4b: {  	[spmem:s2] =	stream.indirect.scatter.add.f32 [tilespmem:s28], [sflag:$0x5], $0x80, s29, s26, $0xb8;
	[tilespmem:$0x1E180] =	vst v63  }
0x4c: {  	_ =	swait.ge [sflag:s31], $0x4000  }
0x4d: {  	s7 =	simm.s32 $0x20;
	s8 =	simm.s32 $0x80;
	[sflag:s31] =	ssyncset.done $0x0  }
.LBB2_2:
0x4e: {  	p1 =	sne.s32 s7, $0x4A0;
	[sflag:s31] =	ssyncadd.s32 $0xFFFFC000;
	s8 =	sadd.s32 $0x100, s8  }
0x4f: {  	[tilespmem:s28], [sflag:$0x2] =	stream.indirect.gather [hbm4b:s1+s26], $0x80, s8, s26, $0xb8;
	[tilespmem:$0x1E180] =	vst v63  }
0x50: {  	s9 =	sadd.s32 s7, s14;
	s10 =	smov.u32 s7;
	s7 =	sadd.s32 $0x20, s7  }
0x51: {  	[tilespmem:s29], [sflag:$0x4] =	stream.linear.gather [hbm4b:s9+s4], $0x80, $0x38;
	[tilespmem:$0x1E180] =	vst v63  }
0x52: {  	_ =	swait.ge [sflag:s21], $0x4000  }
0x53: {  	[sflag:s21] =	ssyncset.done $0x0  }
0x54: {  	[sflag:s21] =	ssyncadd.s32 $0xFFFFC000  }
0x55: {  	_ =	swait.ge [sflag:s30], $0x80  }
0x56: {  	[sflag:s30] =	ssyncset.done $0x0  }
0x57: {  	[sflag:s30] =	ssyncadd.s32 $0xFFFFFF80  }
0x58: {  	[spmem:s2] =	stream.indirect.scatter.add.f32 [tilespmem:s24], [sflag:$0x5], $0x80, s25, s26, $0xb8;
	[tilespmem:$0x1E180] =	vst v63  }
0x59: {  	_ =	swait.ge [sflag:s31], $0x4000  }
0x5a: {  	[sflag:s31] =	ssyncset.done $0x0  }
0x5b: {  	s9 =	sadd.s32 $0x80, s8;
	[sflag:s31] =	ssyncadd.s32 $0xFFFFC000  }
0x5c: {  	[tilespmem:s24], [sflag:$0x1] =	stream.indirect.gather [hbm4b:s1+s26], $0x80, s9, s26, $0xb8;
	[tilespmem:$0x1E180] =	vst v63  }
0x5d: {  	s9 =	sadd.s32 s10, s15  }
0x5e: {  	[tilespmem:s25], [sflag:$0x3] =	stream.linear.gather [hbm4b:s9+s4], $0x80, $0x38;
	[tilespmem:$0x1E180] =	vst v63  }
0x5f: {  	_ =	swait.ge [sflag:s22], $0x4000  }
0x60: {  	[sflag:s22] =	ssyncset.done $0x0  }
0x61: {  	[sflag:s22] =	ssyncadd.s32 $0xFFFFC000  }
0x62: {  	_ =	swait.ge [sflag:s23], $0x80  }
.Ltmp0:
0x63: {  	[sflag:s23] =	ssyncset.done $0x0;
	(pc) =	sbr.rel @p1 .LBB2_2-.Ltmp0, $4  }
0x64: {  	[sflag:s23] =	ssyncadd.s32 $0xFFFFFF80  }
0x65: {  	[spmem:s2] =	stream.indirect.scatter.add.f32 [tilespmem:s28], [sflag:$0x5], $0x80, s29, s26, $0xb8;
	[tilespmem:$0x1E180] =	vst v63  }
0x66: {  	_ =	swait.ge [sflag:s31], $0x4000  }
0x67: {  	[sflag:s31] =	ssyncset.done $0x0  }
0x68: {  	[sflag:s31] =	ssyncadd.s32 $0xFFFFC000;
	s7 =	simm.s32 $0x2680  }
0x69: {  	[tilespmem:s28], [sflag:$0x2] =	stream.indirect.gather [hbm4b:s1+s26], $0x80, s7, s26, $0xb8;
	[tilespmem:$0x1E180] =	vst v63  }
0x6a: {  	_ = 	snop  }
0x6b: {  	[tilespmem:s29], [sflag:$0x4] =	stream.linear.gather [hbm4b:s13+s4], $0x80, $0x38;
	[tilespmem:$0x1E180] =	vst v63  }
0x6c: {  	_ =	swait.ge [sflag:s21], $0x4000  }
0x6d: {  	[sflag:s21] =	ssyncset.done $0x0  }
0x6e: {  	[sflag:s21] =	ssyncadd.s32 $0xFFFFC000  }
0x6f: {  	_ =	swait.ge [sflag:s30], $0x80  }
0x70: {  	[sflag:s30] =	ssyncset.done $0x0  }
0x71: {  	[sflag:s30] =	ssyncadd.s32 $0xFFFFFF80  }
0x72: {  	[spmem:s2] =	stream.indirect.scatter.add.f32 [tilespmem:s24], [sflag:$0x5], $0x80, s25, s26, $0xb8;
	[tilespmem:$0x1E180] =	vst v63  }
0x73: {  	_ =	swait.ge [sflag:s31], $0x4000  }
0x74: {  	[sflag:s31] =	ssyncset.done $0x0  }
0x75: {  	[sflag:s31] =	ssyncadd.s32 $0xFFFFC000  }
0x76: {  	_ =	swait.ge [sflag:s22], $0x4000  }
0x77: {  	[sflag:s22] =	ssyncset.done $0x0  }
0x78: {  	[sflag:s22] =	ssyncadd.s32 $0xFFFFC000  }
0x79: {  	_ =	swait.ge [sflag:s23], $0x80  }
0x7a: {  	[sflag:s23] =	ssyncset.done $0x0  }
0x7b: {  	[sflag:s23] =	ssyncadd.s32 $0xFFFFFF80  }
0x7c: {  	[spmem:s2] =	stream.indirect.scatter.add.f32 [tilespmem:s28], [sflag:$0x5], $0x80, s29, s26, $0xb8;
	[tilespmem:$0x1E180] =	vst v63  }
0x7d: {  	_ =	swait.ge [sflag:s31], $0x4000  }
0x7e: {  	[sflag:s31] =	ssyncset.done $0x0  }
0x7f: {  	[sflag:s31] =	ssyncadd.s32 $0xFFFFC000  }
0x80: {  	[tilespmem:s24], [sflag:$0x1] =	stream.indirect.gather [hbm4b:s1+s3], $0x80, s16, s3, $0xb8;
	[tilespmem:$0x1E180] =	vst v63  }
0x81: {  	_ =	swait.ge [sflag:s21], $0x800  }
0x82: {  	[sflag:s21] =	ssyncset.done $0x0  }
0x83: {  	[sflag:s21] =	ssyncadd.s32 $0xFFFFF800  }
0x84: {  	[spmem:s2] =	stream.indirect.scatter.add.f32 [tilespmem:s24], [sflag:$0x5], $0x80, s17, s3, $0xb8;
	[tilespmem:$0x1E180] =	vst v63  }
0x85: {  	_ =	swait.ge [sflag:s31], $0x800  }
0x86: {  	[sflag:s31] =	ssyncset.done $0x0  }
0x87: {  	[sflag:s31] =	ssyncadd.s32 $0xFFFFF800  }
0x88: {  	s7 =	simm.s32 @p0 $0x1FC5;
	[bflag:$0x0] =	sbarrier.arrive $0xFFFF  }
0x89: {  	[hbm:s11], [sflag:s7] =	dma.local @p0 [spmem:s18], $0x2800  }
0x8a: {  	s7 =	simm.s32 @p0 $0x5  }
0x8b: {  	_ =	swait.ge @p0 [sflag:s7], $0x2800  }
0x8c: {  	s0 =	sadd.s32 $0x1, s0;
	[sflag:s7] =	ssyncset.done @p0 $0x0  }
0x8d: {  	p1 =	sne.s32 s0, s12;
	[sflag:s7] =	ssyncadd.s32 @p0 $0xFFFFD800;
	s7 =	rddreg [dreg:$0x7]  }
0x8e: {  	[hbm:s7], [sflag:s19] =	dma.local @!p0 [spmem:s20], $0x2700  }
.Ltmp1:
0x8f: {  	_ = 	snop;
	(pc) =	sbr.rel @p1 .LBB2_1-.Ltmp1, $4  }
0x90: {  	s7 =	simm.s32 @!p0 $0x5  }
0x91: {  	_ =	swait.ge @!p0 [sflag:s7], $0x2700  }
0x92: {  	[sflag:s7] =	ssyncset.done @!p0 $0x0  }
0x93: {  	[sflag:s7] =	ssyncadd.s32 @!p0 $0xFFFFD900  }
0x94: {  	_ =	sfence.sel $0x180000  }
0x95: {  	[bflag:$0x0] =	sbarrier.arrive $0xFFFF  }
0x96: {  	_ =	strace $0x90000047  }
0x97: {  	s0 =	stileid.u32;
	[bflag:$0x2] =	sbarrier.arrive $0xFFFF  }
0x98: {  	p0 =	sne.s32 s0, $0x0;
	s0 =	rddreg [dreg:$0x3]  }
0x99: {  	s0 =	sadd.s32 @!p0 $0x100000, s0  }
0x9a: {  	[sflag:s0] =	ssyncadd.tile.s32 @!p0 $0x1;
	_ =	shalt  }
.Lfunc_end2:
_tile_overlayer_lowered:
.L_overlay_start_2:
0x9b: {  	(tag) =	ssettag $0x2  }
0x9c: {  	s0 =	rddreg [dreg:$0x0];
	s2 =	stileid.u32  }
0x9d: {  	s1 =	rddreg [dreg:$0x1];
	p0 =	sne.s32 s2, $0x0  }
0x9e: {  	s3 =	rddreg [dreg:$0x2];
	[bflag:$0x3] =	sbarrier.arrive $0xFFFF;
	s2 =	simm.s32 @!p0 $0x1C05  }
0x9f: {  	[timem:s3], [sflag:s2] =	dma.local @!p0 [hbm:s0], s1  }
0xa0: {  	s0 =	simm.s32 @!p0 $0x5  }
0xa1: {  	_ =	swait.ge @!p0 [sflag:s0], s1  }
0xa2: {  	s1 =	ssub.s32 @!p0 $0x0, s1;
	[sflag:s0] =	ssyncset.done @!p0 $0x0  }
0xa3: {  	[sflag:s0] =	ssyncadd.s32 @!p0 s1  }
0xa4: {  	[bflag:$0x3] =	sbarrier.arrive $0xFFFF  }
0xa5: {  	_ =	shalt  }

// kernel: kernel.9.cloned.1.call-start
scs
__scs_entry_jumppad:
0x0: {  	(pc) =	sbr.rel $0x88, $3  }
0x1: {  	(tag) =	ssettag $0x0;
	lr =	simm.s32 $0x1  }
0x2: {  	[smem:$0x3F8E] =	sst lr;
	_ =	strace $0xD0000000  }
0x3: {  	_ = 	snop  }
0x4: {  	_ = 	snop  }
0x5: {  	_ = 	snop  }
0x6: {  	_ = 	snop  }
0x7: {  	_ = 	snop  }
__scs_overlays_trampoline_lowered:
0x8: {  	[smem:$0x3F9D] =	sst s0  }
0x9: {  	[smem:$0x3F9E] =	sst s1  }
0xa: {  	[smem:$0x3F9F] =	sst s2  }
0xb: {  	[smem:$0x3FA0] =	sst s3  }
0xc: {  	[smem:$0x3FA1] =	sst s4  }
0xd: {  	[smem:$0x3FA2] =	sst s5  }
0xe: {  	[smem:$0x3FA3] =	sst s6  }
0xf: {  	[smem:$0x3FA4] =	sst s7  }
0x10: {  	[smem:$0x3FA5] =	sst s8  }
0x11: {  	[smem:$0x3FA6] =	sst s9;
	s0 =	simm.s32 @!p0 $0x0  }
0x12: {  	s1 =	sld [smem:$0x3F8C];
	s0 =	simm.s32 @p0 $0x1  }
0x13: {  	[smem:$0x3FA7] =	sst s0;
	s0 =	simm.s32 @!p1 $0x0  }
0x14: {  	s2 =	sld [smem:$0x3F8B];
	s0 =	simm.s32 @p1 $0x1  }
0x15: {  	[smem:$0x3FA8] =	sst s0;
	s0 =	simm.s32 @!p2 $0x0  }
0x16: {  	s3 =	sld [smem:$0x3FDB];
	s0 =	simm.s32 @p2 $0x1  }
0x17: {  	s4 =	simm.s32 $0x1BF5;
	[smem:$0x3FAA] =	sst s0  }
0x18: {  	s0 =	sld [smem:$0x3F8D];
	_ =	swait.ge [sflag:s4], $0x0  }
0x19: {  	s7 =	sld [smem:$0x3F8E]  }
0x1a: {  	s8 =	sadd.s32 $0xFFFFE003, lr  }
0x1b: {  	s9 =	sadd.s32 $0xFFFFFEF7, lr;
	s5 =	simm.s32 $0xFFFFFFFF;
	p2 =	slt.u32 s8, $0xFFFFF086  }
0x1c: {  	p1 =	slt.u32 s9, $0xF7A;
	s5 =	simm.s32 @!p2 $0x0  }
0x1d: {  	s5 =	simm.s32 @p1 $0x1;
	p0 =	seq.s32 s7, s2  }
0x1e: {  	s7 =	smul.u32 @!p0 $0xF7A, s2;
	p2 =	seq.s32 @!p0 s5, $0x0  }
0x1f: {  	s9 =	smul.u32 $0xF7A, s1;
	s8 =	simm.s32 @!p0 $0x1BF5;
	p2 =	por !p2, p0  }
0x20: {  	[sflag:s8] =	ssyncset.s32 @!p0 $0xFFFFF086;
	s6 =	sadd.s32 @!p0 s3, s7;
	s7 =	simm.s32 @!p0 $0x108  }
0x21: {  	s3 =	sadd.s32 s3, s9;
	s6 =	sadd.s32 @!p0 $0x88, s6;
	s7 =	simm.s32 @p2 $0x1082  }
0x22: {  	[simem:s7], [sflag:s8] =	dma.local @!p0 [hbm:s6], $0xF7A  }
0x23: {  	s9 =	sor.u32 $0xD0000000, s2;
	s6 =	simm.s32 $0x108;
	_ =	swait.ge @!p0 [sflag:s8], $0x0  }
0x24: {  	s3 =	sadd.s32 $0x88, s3;
	s6 =	simm.s32 @!p1 $0x1082;
	[sflag:s4] =	ssyncset.s32 $0xFFFFF086  }
0x25: {  	[simem:s6], [sflag:s4] =	dma.local [hbm:s3], $0xF7A  }
0x26: {  	[smem:$0x3F8E] =	sst s1;
	(tag) =	ssettag s2;
	_ =	strace s9  }
0x27: {  	s1 =	sld [smem:$0x3F9E]  }
0x28: {  	s2 =	sld [smem:$0x3F9F]  }
0x29: {  	s4 =	sld [smem:$0x3FA1]  }
0x2a: {  	p0 =	seq.s32 s5, $0x0;
	s5 =	sld [smem:$0x3FA2]  }
0x2b: {  	s6 =	sld [smem:$0x3FA3]  }
0x2c: {  	s7 =	sld [smem:$0x3FA4]  }
0x2d: {  	s3 =	simm.s32 $0x108;
	s8 =	sld [smem:$0x3FA5]  }
0x2e: {  	s3 =	simm.s32 @!p0 $0x1082;
	s9 =	sld [smem:$0x3FA6]  }
0x2f: {  	lr =	sadd.s32 s0, s3;
	s0 =	sld [smem:$0x3F9D]  }
0x30: {  	s3 =	sld [smem:$0x3FA0]  }
0x31: {  	[smem:$0x3FA9] =	sst s10  }
0x32: {  	s10 =	sld [smem:$0x3FA7];
	_ =	sdelay $0x3  }
0x33: {  	p0 =	seq.s32 s10, $0x1;
	s10 =	sld [smem:$0x3FA9];
	_ =	sdelay $0x3  }
0x34: {  	[smem:$0x3FA9] =	sst s10  }
0x35: {  	s10 =	sld [smem:$0x3FA8];
	_ =	sdelay $0x3  }
0x36: {  	p1 =	seq.s32 s10, $0x1;
	s10 =	sld [smem:$0x3FA9];
	_ =	sdelay $0x3  }
0x37: {  	[smem:$0x3FA9] =	sst s10  }
0x38: {  	s10 =	sld [smem:$0x3FAA]  }
0x39: {  	_ = 	snop;
	(pc) =	sbr.ind lr, $3  }
0x3a: {  	_ = 	snop  }
0x3b: {  	_ = 	snop  }
0x3c: {  	p2 =	seq.s32 s10, $0x1;
	s10 =	sld [smem:$0x3FA9]  }
0x3d: {  	_ =	shalt  }
0x3e: {  	_ =	shalt  }
0x3f: {  	_ =	shalt  }
0x40: {  	_ =	shalt  }
0x41: {  	_ =	shalt  }
0x42: {  	_ =	shalt  }
0x43: {  	_ =	shalt  }
0x44: {  	_ =	shalt  }
0x45: {  	_ =	shalt  }
0x46: {  	_ =	shalt  }
0x47: {  	_ =	shalt  }
0x48: {  	_ =	shalt  }
0x49: {  	_ =	shalt  }
0x4a: {  	_ =	shalt  }
0x4b: {  	_ =	shalt  }
0x4c: {  	_ =	shalt  }
0x4d: {  	_ =	shalt  }
0x4e: {  	_ =	shalt  }
0x4f: {  	_ =	shalt  }
0x50: {  	_ =	shalt  }
0x51: {  	_ =	shalt  }
0x52: {  	_ =	shalt  }
0x53: {  	_ =	shalt  }
0x54: {  	_ =	shalt  }
0x55: {  	_ =	shalt  }
0x56: {  	_ =	shalt  }
0x57: {  	_ =	shalt  }
0x58: {  	_ =	shalt  }
0x59: {  	_ =	shalt  }
0x5a: {  	_ =	shalt  }
0x5b: {  	_ =	shalt  }
0x5c: {  	_ =	shalt  }
0x5d: {  	_ =	shalt  }
0x5e: {  	_ =	shalt  }
0x5f: {  	_ =	shalt  }
0x60: {  	_ =	shalt  }
0x61: {  	_ =	shalt  }
0x62: {  	_ =	shalt  }
0x63: {  	_ =	shalt  }
0x64: {  	_ =	shalt  }
0x65: {  	_ =	shalt  }
0x66: {  	_ =	shalt  }
0x67: {  	_ =	shalt  }
0x68: {  	_ =	shalt  }
0x69: {  	_ =	shalt  }
0x6a: {  	_ =	shalt  }
0x6b: {  	_ =	shalt  }
0x6c: {  	_ =	shalt  }
0x6d: {  	_ =	shalt  }
0x6e: {  	_ =	shalt  }
0x6f: {  	_ =	shalt  }
0x70: {  	_ =	shalt  }
0x71: {  	_ =	shalt  }
0x72: {  	_ =	shalt  }
0x73: {  	_ =	shalt  }
0x74: {  	_ =	shalt  }
0x75: {  	_ =	shalt  }
0x76: {  	_ =	shalt  }
0x77: {  	_ =	shalt  }
0x78: {  	_ =	shalt  }
0x79: {  	_ =	shalt  }
0x7a: {  	_ =	shalt  }
0x7b: {  	_ =	shalt  }
0x7c: {  	_ =	shalt  }
0x7d: {  	_ =	shalt  }
0x7e: {  	_ =	shalt  }
0x7f: {  	_ =	shalt  }
0x80: {  	_ =	shalt  }
0x81: {  	_ =	shalt  }
0x82: {  	_ =	shalt  }
0x83: {  	_ =	shalt  }
0x84: {  	_ =	shalt  }
0x85: {  	_ =	shalt  }
0x86: {  	_ =	shalt  }
0x87: {  	_ =	shalt  }
.Lfunc_end0:
.L_simem_size_0:
called_computation.1_lowered:
.L_overlay_start_0:
0x88: {  	s2 =	sld [smem:$0x3FD9]  }
0x89: {  	s3 =	sld [smem:$0x3FFE];
	_ =	sdelay $0x1  }
0x8a: {  	s1 =	srdreg.scid  }
0x8b: {  	s0 =	sand.u32 $0x1, s1  }
0x8c: {  	s16 =	sshll.u32 s0, $0xA;
	s2 =	sadd.s32 s3, s2  }
0x8d: {  	s2 =	sadd.s32 s2, s16  }
0x8e: {  	[smem:$0x3FB5] =	sst s2  }
0x8f: {  	_ = 	snop  }
0x90: {  	(tm) =	ssettm $0x1  }
0x91: {  	s17 =	sld [smem:$0x3FFB];
	_ =	sdelay $0x3  }
0x92: {  	_ =	strace s17  }
0x93: {  	s2 =	sld [smem:$0x3FFC];
	_ =	sdelay $0x3  }
0x94: {  	_ =	strace s2  }
0x95: {  	s2 =	sld [smem:$0x3FFD];
	_ =	sdelay $0x3  }
0x96: {  	_ =	strace s2  }
0x97: {  	_ =	strace $0x8FFFFFFF  }
0x98: {  	s18 =	sld [smem:$0x3FDB];
	_ =	sdelay $0x1  }
0x99: {  	s19 =	simm.s32 $_scs_section_size  }
0x9a: {  	s4 =	simm.s32 $_size__tile_overlayer_lowered;
	s5 =	simm.s32 $_tile_overlayer_lowered  }
0x9b: {  	s22 =	simm.s32 $0x1BFF;
	s21 =	sshll.u32 s5, $0x1;
	s2 =	sadd.s32 s19, s18  }
0x9c: {  	s6 =	simm.s32 $0x0;
	s20 =	sshll.u32 s4, $0x1;
	s4 =	sadd.s32 s21, s2  }
0x9d: {  	[timem:s6], [sflag:s22] =	dma.local [hbm:s4], s20  }
0x9e: {  	_ =	swait.ge [sflag:s22], s20  }
0x9f: {  	s3 =	ssub.s32 $0x0, s20;
	[sflag:s22] =	ssyncset.done $0x0  }
0xa0: {  	[sflag:s22] =	ssyncadd.s32 s3;
	_ =	sdelay $0x1  }
0xa1: {  	s23 =	simm.s32 $0x1B8B  }
0xa2: {  	_ =	swait.ge [sflag:s23], $0x1  }
0xa3: {  	[sflag:s23] =	ssyncset.done $0x0  }
0xa4: {  	s25 =	simm.s32 $0x1B8E;
	s24 =	sld [smem:$0x3FFE];
	[sflag:s23] =	ssyncadd.s32 $0xFFFFFFFF  }
0xa5: {  	s26 =	simm.s32 $execute0_lowered;
	[smem:$0x3FD2] =	sst s25  }
0xa6: {  	s4 =	sshll.u32 s26, $0x1;
	_ =	strace $0x80000049;
	[dreg:$0x1] =	wrdreg $0xFFFFFFFF  }
0xa7: {  	s28 =	simm.s32 $_size_execute0_lowered;
	s2 =	sadd.s32 s2, s4;
	[dreg:$0x0] =	wrdreg $0x0  }
0xa8: {  	s4 =	sshll.u32 s28, $0x1;
	[dreg:$0x2] =	wrdreg s2  }
0xa9: {  	[dreg:$0x3] =	wrdreg s4  }
0xaa: {  	[dreg:$0x4] =	wrdreg $0xC0  }
0xab: {  	_ =	task [dreg:s6], $0x5FFFF  }
0xac: {  	[dreg:$0x1] =	wrdreg $0xFFFFFFFF  }
0xad: {  	[dreg:$0x0] =	wrdreg $0x60  }
0xae: {  	[dreg:$0x2] =	wrdreg s24  }
0xaf: {  	[dreg:$0x3] =	wrdreg $0xA9000  }
0xb0: {  	[dreg:$0x4] =	wrdreg $0x9  }
0xb1: {  	_ =	task.clear_ibuf [dreg:s6], $0x5FFFF;
	_ =	strace $0x90000049  }
0xb2: {  	s29 =	simm.s32 $0x9;
	_ =	strace $0x8000004B  }
0xb3: {  	_ =	swait.ge [sflag:s29], $0x1  }
0xb4: {  	[sflag:s29] =	ssyncadd.s32 $0xFFFFFFFF  }
0xb5: {  	_ =	strace $0x9000004B  }
0xb6: {  	_ =	sfence  }
0xb7: {  	s30 =	sld [smem:$0x0];
	_ =	sdelay $0x2  }
0xb8: {  	s31 =	sshll.u32 s1, $0xD;
	s1 =	sshrl.u32 s1, $0x2  }
0xb9: {  	s3 =	sand.u32 $0x4000, s31;
	s1 =	sadd.s32 s1, s30  }
0xba: {  	s0 =	sor.u32 s3, s0;
	s1 =	sshll.u32 s1, $0x11  }
0xbb: {  	s0 =	sor.u32 s1, s0  }
0xbc: {  	s0 =	sadd.s32 $0x8F2B, s0  }
0xbd: {  	[sflag:s0] =	ssyncadd.remote.s32 $0x1  }
0xbe: {  	_ =	sfence.sel $0xFFFF  }
0xbf: {  	[dreg:$0x0] =	wrdreg $0xFFFFFFFF;
	(pc) =	sbr.abs _section_cstart, $3  }
0xc0: {  	[dreg:$0x1] =	wrdreg $0xFFFFFFFF  }
0xc1: {  	_ =	task.clear_ibuf [dreg:s6], $0x2FFFF;
	_ =	strace $0x9FFFFFFF  }
0xc2: {  	(tm) =	ssettm $0x7FFFFFFF  }
0xc3: {  	_ =	shalt  }
tec
execute0_lowered:
.L_overlay_start_1:
0x0: {  	(tag) =	ssettag $0x1  }
0x1: {  	s0 =	rddreg [dreg:$0x0]  }
0x2: {  	s1 =	rddreg [dreg:$0x1];
	s2 =	srdreg.scid  }
0x3: {  	s3 =	simm.s32 $0x0;
	s19 =	stileid.u32;
	s16 =	simm.s32 $0xA800  }
0x4: {  	s17 =	simm.s32 $0xA880;
	s28 =	simm.s32 $0x6800;
	s29 =	simm.s32 $0x2780  }
0x5: {  	s30 =	simm.s32 $0x3;
	s31 =	simm.s32 $0x5;
	s9 =	smul.u32 $0x4E000, s19  }
0x6: {  	s2 =	sand.u32 $0x1, s2;
	[smem:$0x7FF] =	sst s3;
	s22 =	smul.u32 $0x13800, s19  }
0x7: {  	s7 =	sadd.s32 $0x3600, s0;
	s18 =	sadd.s32 $0x124800, s1;
	s23 =	smul.u32 $0x2710, s19  }
0x8: {  	p0 =	seq.s32 s19, $0xF;
	s4 =	sshll.u32 s2, $0x4;
	s11 =	smul.u32 $0x138800, s2  }
0x9: {  	_ =	strace $0x8000004A;
	s8 =	ssub.s32 $0x2, s2;
	s2 =	smul.u32 $0x27100, s2  }
0xa: {  	s18 =	sshrl.u32 @p0 s18, $0x3;
	s5 =	sor.u32 s19, s4;
	s4 =	sadd.s32 $0x19800, s0  }
0xb: {  	s10 =	sshrl.u32 s8, $0x1;
	s9 =	sshrl.u32 s9, $0x2;
	s6 =	smul.u32 $0x2710, s5  }
0xc: {  	s5 =	sadd.s32 $0x17000, s0;
	s0 =	sadd.s32 $0x40A00, s0;
	s8 =	ssub.s32 s8, s10  }
0xd: {  	s20 =	sadd.s32 s9, s1;
	s10 =	sadd.s32 s22, s11;
	s11 =	sshrl.u32 s11, $0x3  }
0xe: {  	s2 =	sadd.s32 s23, s2;
	s22 =	simm.s32 $0x2;
	s23 =	simm.s32 $0x4  }
0xf: {  	s10 =	sshrl.u32 s10, $0x3;
	s11 =	sadd.s32 s0, s11;
	s25 =	sadd.s32 $0x4E280, s2  }
0x10: {  	s2 =	sadd.s32 $0x4E300, s2;
	s20 =	sshrl.u32 @!p0 s20, $0x3;
	s6 =	sshrl.u32 s6, $0x3  }
0x11: {  	s0 =	sadd.s32 s0, s10;
	s11 =	sadd.s32 $0x24900, s11;
	s26 =	sshrl.u32 s2, $0x3  }
0x12: {  	s2 =	simm.s32 $0x10;
	s6 =	sadd.s32 s7, s6;
	[dreg:$0x6] =	wrdreg s0  }
0x13: {  	s0 =	sshrl.u32 s25, $0x3;
	s15 =	sadd.s32 s26, s7;
	s25 =	simm.s32 $0x2700  }
0x14: {  	s26 =	simm.s32 $0x80;
	s21 =	sadd.s32 $0x4E0, s6;
	s12 =	sadd.s32 $0xA120, s6  }
0x15: {  	s24 =	sadd.s32 $0x9C40, s6;
	s13 =	sadd.s32 $0xA110, s6;
	[dreg:$0x3] =	wrdreg s21  }
0x16: {  	s14 =	sadd.s32 s0, s7;
	s0 =	sshll.u32 @!p0 s19, $0x6;
	[dreg:$0x4] =	wrdreg s12  }
0x17: {  	[dreg:$0x5] =	wrdreg s24;
	s12 =	smax.u32 s8, $0x1;
	s19 =	sor.u32 @!p0 $0x1C05, s0  }
0x18: {  	s21 =	simm.s32 $0x1;
	s24 =	simm.s32 $0x2800;
	s0 =	simm.s32 $0x0  }
.LBB2_1:
0x19: {  	[tilespmem:s3], [sflag:$0x1] =	stream.linear.gather [hbm4b:s6+s3], $0x2700, $0x38;
	[tilespmem:$0x1E180] =	vst v63  }
0x1a: {  	s7 =	rddreg [dreg:$0x3]  }
0x1b: {  	[tilespmem:s16], [sflag:$0x2] =	stream.linear.gather [hbm4b:s7+s3], $0x10, $0x38;
	[tilespmem:$0x1E180] =	vst v63  }
0x1c: {  	s9 =	rddreg [dreg:$0x4];
	s7 =	simm.s32 @p0 $0x1FC5  }
0x1d: {  	[tilespmem:s17], [sflag:$0x4] =	stream.linear.gather [hbm4b:s9+s3], $0x10, $0x38;
	[tilespmem:$0x1E180] =	vst v63  }
0x1e: {  	[spmem:s18], [sflag:s7] =	dma.local @p0 [hbm:s5], $0x2800  }
0x1f: {  	s7 =	simm.s32 @p0 $0x5  }
0x20: {  	_ =	swait.ge @p0 [sflag:s7], $0x2800  }
0x21: {  	[sflag:s7] =	ssyncset.done @p0 $0x0  }
0x22: {  	[sflag:s7] =	ssyncadd.s32 @p0 $0xFFFFD800;
	s7 =	simm.s32 @!p0 $0x5  }
0x23: {  	[spmem:s20], [sflag:s19] =	dma.local @!p0 [hbm:s5], $0x2700  }
0x24: {  	_ =	swait.ge @!p0 [sflag:s7], $0x2700  }
0x25: {  	[sflag:s7] =	ssyncset.done @!p0 $0x0  }
0x26: {  	[sflag:s7] =	ssyncadd.s32 @!p0 $0xFFFFD900  }
0x27: {  	_ =	swait.ge [sflag:s21], $0x2700  }
0x28: {  	[sflag:s21] =	ssyncset.done $0x0  }
0x29: {  	[sflag:s21] =	ssyncadd.s32 $0xFFFFD900  }
0x2a: {  	_ =	swait.ge [sflag:s22], $0x10  }
0x2b: {  	[sflag:s22] =	ssyncset.done $0x0  }
0x2c: {  	[sflag:s22] =	ssyncadd.s32 $0xFFFFFFF0  }
0x2d: {  	_ =	swait.ge [sflag:s23], $0x10  }
0x2e: {  	[sflag:s23] =	ssyncset.done $0x0  }
0x2f: {  	[sflag:s23] =	ssyncadd.s32 $0xFFFFFFF0  }
0x30: {  	[tilespmem:s24], [sflag:$0x1] =	stream.indirect.gather [hbm4b:s4+s26], $0x80, s3, s26, $0xb8;
	[tilespmem:$0x1E180] =	vst v63  }
0x31: {  	s10 =	rddreg [dreg:$0x5]  }
0x32: {  	[tilespmem:s25], [sflag:$0x3] =	stream.linear.gather [hbm4b:s10+s3], $0x80, $0x38;
	[tilespmem:$0x1E180] =	vst v63  }
0x33: {  	[bflag:$0x0] =	sbarrier.arrive $0xFFFF  }
0x34: {  	[tilespmem:s28], [sflag:$0x2] =	stream.indirect.gather [hbm4b:s4+s26], $0x80, s26, s26, $0xb8;
	[tilespmem:$0x1E180] =	vst v63  }
0x35: {  	s8 =	sadd.s32 $0x0, s14  }
0x36: {  	[tilespmem:s29], [sflag:$0x4] =	stream.linear.gather [hbm4b:s8+s3], $0x80, $0x38;
	[tilespmem:$0x1E180] =	vst v63  }
0x37: {  	_ =	swait.ge [sflag:s21], $0x4000  }
0x38: {  	[sflag:s21] =	ssyncset.done $0x0  }
0x39: {  	[sflag:s21] =	ssyncadd.s32 $0xFFFFC000  }
0x3a: {  	_ =	swait.ge [sflag:s30], $0x80  }
0x3b: {  	[sflag:s30] =	ssyncset.done $0x0  }
0x3c: {  	[sflag:s30] =	ssyncadd.s32 $0xFFFFFF80  }
0x3d: {  	[spmem:s1] =	stream.indirect.scatter.add.f32 [tilespmem:s24], [sflag:$0x5], $0x80, s25, s26, $0xb8;
	[tilespmem:$0x1E180] =	vst v63  }
0x3e: {  	_ =	swait.ge [sflag:s31], $0x4000  }
0x3f: {  	[sflag:s31] =	ssyncset.done $0x0  }
0x40: {  	s9 =	simm.s32 $0x100;
	[sflag:s31] =	ssyncadd.s32 $0xFFFFC000  }
0x41: {  	[tilespmem:s24], [sflag:$0x1] =	stream.indirect.gather [hbm4b:s4+s26], $0x80, s9, s26, $0xb8;
	[tilespmem:$0x1E180] =	vst v63  }
0x42: {  	s10 =	sadd.s32 $0x0, s15  }
0x43: {  	[tilespmem:s25], [sflag:$0x3] =	stream.linear.gather [hbm4b:s10+s3], $0x80, $0x38;
	[tilespmem:$0x1E180] =	vst v63  }
0x44: {  	_ =	swait.ge [sflag:s22], $0x4000  }
0x45: {  	[sflag:s22] =	ssyncset.done $0x0  }
0x46: {  	[sflag:s22] =	ssyncadd.s32 $0xFFFFC000  }
0x47: {  	_ =	swait.ge [sflag:s23], $0x80  }
0x48: {  	[sflag:s23] =	ssyncset.done $0x0  }
0x49: {  	[sflag:s23] =	ssyncadd.s32 $0xFFFFFF80  }
0x4a: {  	[spmem:s1] =	stream.indirect.scatter.add.f32 [tilespmem:s28], [sflag:$0x5], $0x80, s29, s26, $0xb8;
	[tilespmem:$0x1E180] =	vst v63  }
0x4b: {  	_ =	swait.ge [sflag:s31], $0x4000  }
0x4c: {  	s7 =	simm.s32 $0x20;
	s8 =	simm.s32 $0x80;
	[sflag:s31] =	ssyncset.done $0x0  }
.LBB2_2:
0x4d: {  	p1 =	sne.s32 s7, $0x4A0;
	[sflag:s31] =	ssyncadd.s32 $0xFFFFC000;
	s8 =	sadd.s32 $0x100, s8  }
0x4e: {  	[tilespmem:s28], [sflag:$0x2] =	stream.indirect.gather [hbm4b:s4+s26], $0x80, s8, s26, $0xb8;
	[tilespmem:$0x1E180] =	vst v63  }
0x4f: {  	s9 =	sadd.s32 s7, s14;
	s10 =	smov.u32 s7;
	s7 =	sadd.s32 $0x20, s7  }
0x50: {  	[tilespmem:s29], [sflag:$0x4] =	stream.linear.gather [hbm4b:s9+s3], $0x80, $0x38;
	[tilespmem:$0x1E180] =	vst v63  }
0x51: {  	_ =	swait.ge [sflag:s21], $0x4000  }
0x52: {  	[sflag:s21] =	ssyncset.done $0x0  }
0x53: {  	[sflag:s21] =	ssyncadd.s32 $0xFFFFC000  }
0x54: {  	_ =	swait.ge [sflag:s30], $0x80  }
0x55: {  	[sflag:s30] =	ssyncset.done $0x0  }
0x56: {  	[sflag:s30] =	ssyncadd.s32 $0xFFFFFF80  }
0x57: {  	[spmem:s1] =	stream.indirect.scatter.add.f32 [tilespmem:s24], [sflag:$0x5], $0x80, s25, s26, $0xb8;
	[tilespmem:$0x1E180] =	vst v63  }
0x58: {  	_ =	swait.ge [sflag:s31], $0x4000  }
0x59: {  	[sflag:s31] =	ssyncset.done $0x0  }
0x5a: {  	s9 =	sadd.s32 $0x80, s8;
	[sflag:s31] =	ssyncadd.s32 $0xFFFFC000  }
0x5b: {  	[tilespmem:s24], [sflag:$0x1] =	stream.indirect.gather [hbm4b:s4+s26], $0x80, s9, s26, $0xb8;
	[tilespmem:$0x1E180] =	vst v63  }
0x5c: {  	s9 =	sadd.s32 s10, s15  }
0x5d: {  	[tilespmem:s25], [sflag:$0x3] =	stream.linear.gather [hbm4b:s9+s3], $0x80, $0x38;
	[tilespmem:$0x1E180] =	vst v63  }
0x5e: {  	_ =	swait.ge [sflag:s22], $0x4000  }
0x5f: {  	[sflag:s22] =	ssyncset.done $0x0  }
0x60: {  	[sflag:s22] =	ssyncadd.s32 $0xFFFFC000  }
0x61: {  	_ =	swait.ge [sflag:s23], $0x80  }
.Ltmp0:
0x62: {  	[sflag:s23] =	ssyncset.done $0x0;
	(pc) =	sbr.rel @p1 .LBB2_2-.Ltmp0, $4  }
0x63: {  	[sflag:s23] =	ssyncadd.s32 $0xFFFFFF80  }
0x64: {  	[spmem:s1] =	stream.indirect.scatter.add.f32 [tilespmem:s28], [sflag:$0x5], $0x80, s29, s26, $0xb8;
	[tilespmem:$0x1E180] =	vst v63  }
0x65: {  	_ =	swait.ge [sflag:s31], $0x4000  }
0x66: {  	[sflag:s31] =	ssyncset.done $0x0  }
0x67: {  	[sflag:s31] =	ssyncadd.s32 $0xFFFFC000;
	s7 =	simm.s32 $0x2680  }
0x68: {  	[tilespmem:s28], [sflag:$0x2] =	stream.indirect.gather [hbm4b:s4+s26], $0x80, s7, s26, $0xb8;
	[tilespmem:$0x1E180] =	vst v63  }
0x69: {  	_ = 	snop  }
0x6a: {  	[tilespmem:s29], [sflag:$0x4] =	stream.linear.gather [hbm4b:s13+s3], $0x80, $0x38;
	[tilespmem:$0x1E180] =	vst v63  }
0x6b: {  	_ =	swait.ge [sflag:s21], $0x4000  }
0x6c: {  	[sflag:s21] =	ssyncset.done $0x0  }
0x6d: {  	[sflag:s21] =	ssyncadd.s32 $0xFFFFC000  }
0x6e: {  	_ =	swait.ge [sflag:s30], $0x80  }
0x6f: {  	[sflag:s30] =	ssyncset.done $0x0  }
0x70: {  	[sflag:s30] =	ssyncadd.s32 $0xFFFFFF80  }
0x71: {  	[spmem:s1] =	stream.indirect.scatter.add.f32 [tilespmem:s24], [sflag:$0x5], $0x80, s25, s26, $0xb8;
	[tilespmem:$0x1E180] =	vst v63  }
0x72: {  	_ =	swait.ge [sflag:s31], $0x4000  }
0x73: {  	[sflag:s31] =	ssyncset.done $0x0  }
0x74: {  	[sflag:s31] =	ssyncadd.s32 $0xFFFFC000  }
0x75: {  	_ =	swait.ge [sflag:s22], $0x4000  }
0x76: {  	[sflag:s22] =	ssyncset.done $0x0  }
0x77: {  	[sflag:s22] =	ssyncadd.s32 $0xFFFFC000  }
0x78: {  	_ =	swait.ge [sflag:s23], $0x80  }
0x79: {  	[sflag:s23] =	ssyncset.done $0x0  }
0x7a: {  	[sflag:s23] =	ssyncadd.s32 $0xFFFFFF80  }
0x7b: {  	[spmem:s1] =	stream.indirect.scatter.add.f32 [tilespmem:s28], [sflag:$0x5], $0x80, s29, s26, $0xb8;
	[tilespmem:$0x1E180] =	vst v63  }
0x7c: {  	_ =	swait.ge [sflag:s31], $0x4000  }
0x7d: {  	[sflag:s31] =	ssyncset.done $0x0  }
0x7e: {  	[sflag:s31] =	ssyncadd.s32 $0xFFFFC000  }
0x7f: {  	[tilespmem:s24], [sflag:$0x1] =	stream.indirect.gather [hbm4b:s4+s2], $0x80, s16, s2, $0xb8;
	[tilespmem:$0x1E180] =	vst v63  }
0x80: {  	_ =	swait.ge [sflag:s21], $0x800  }
0x81: {  	[sflag:s21] =	ssyncset.done $0x0  }
0x82: {  	[sflag:s21] =	ssyncadd.s32 $0xFFFFF800  }
0x83: {  	[spmem:s1] =	stream.indirect.scatter.add.f32 [tilespmem:s24], [sflag:$0x5], $0x80, s17, s2, $0xb8;
	[tilespmem:$0x1E180] =	vst v63  }
0x84: {  	_ =	swait.ge [sflag:s31], $0x800  }
0x85: {  	[sflag:s31] =	ssyncset.done $0x0  }
0x86: {  	[sflag:s31] =	ssyncadd.s32 $0xFFFFF800  }
0x87: {  	s7 =	simm.s32 @p0 $0x1FC5;
	[bflag:$0x0] =	sbarrier.arrive $0xFFFF  }
0x88: {  	[hbm:s11], [sflag:s7] =	dma.local @p0 [spmem:s18], $0x2800  }
0x89: {  	s7 =	simm.s32 @p0 $0x5  }
0x8a: {  	_ =	swait.ge @p0 [sflag:s7], $0x2800  }
0x8b: {  	s0 =	sadd.s32 $0x1, s0;
	[sflag:s7] =	ssyncset.done @p0 $0x0  }
0x8c: {  	p1 =	sne.s32 s0, s12;
	[sflag:s7] =	ssyncadd.s32 @p0 $0xFFFFD800;
	s7 =	rddreg [dreg:$0x6]  }
0x8d: {  	[hbm:s7], [sflag:s19] =	dma.local @!p0 [spmem:s20], $0x2700  }
.Ltmp1:
0x8e: {  	_ = 	snop;
	(pc) =	sbr.rel @p1 .LBB2_1-.Ltmp1, $4  }
0x8f: {  	s7 =	simm.s32 @!p0 $0x5  }
0x90: {  	_ =	swait.ge @!p0 [sflag:s7], $0x2700  }
0x91: {  	[sflag:s7] =	ssyncset.done @!p0 $0x0  }
0x92: {  	[sflag:s7] =	ssyncadd.s32 @!p0 $0xFFFFD900  }
0x93: {  	_ =	sfence.sel $0x180000  }
0x94: {  	[bflag:$0x0] =	sbarrier.arrive $0xFFFF  }
0x95: {  	_ =	strace $0x9000004A  }
0x96: {  	s0 =	stileid.u32;
	[bflag:$0x2] =	sbarrier.arrive $0xFFFF  }
0x97: {  	p0 =	sne.s32 s0, $0x0;
	s0 =	rddreg [dreg:$0x2]  }
0x98: {  	s0 =	sadd.s32 @!p0 $0x100000, s0  }
0x99: {  	[sflag:s0] =	ssyncadd.tile.s32 @!p0 $0x1;
	_ =	shalt  }
.Lfunc_end2:
_tile_overlayer_lowered:
.L_overlay_start_2:
0x9a: {  	(tag) =	ssettag $0x2  }
0x9b: {  	s0 =	rddreg [dreg:$0x0];
	s2 =	stileid.u32  }
0x9c: {  	s1 =	rddreg [dreg:$0x1];
	p0 =	sne.s32 s2, $0x0  }
0x9d: {  	s3 =	rddreg [dreg:$0x2];
	[bflag:$0x3] =	sbarrier.arrive $0xFFFF;
	s2 =	simm.s32 @!p0 $0x1C05  }
0x9e: {  	[timem:s3], [sflag:s2] =	dma.local @!p0 [hbm:s0], s1  }
0x9f: {  	s0 =	simm.s32 @!p0 $0x5  }
0xa0: {  	_ =	swait.ge @!p0 [sflag:s0], s1  }
0xa1: {  	s1 =	ssub.s32 @!p0 $0x0, s1;
	[sflag:s0] =	ssyncset.done @!p0 $0x0  }
0xa2: {  	[sflag:s0] =	ssyncadd.s32 @!p0 s1  }
0xa3: {  	[bflag:$0x3] =	sbarrier.arrive $0xFFFF  }
0xa4: {  	_ =	shalt  }

</sc_bundles>
